<compile_context>
chip_gen: v7x
topology: tpu7x:2x2x1
jax: 0.10.2.dev20260603
libtpu: 0.0.44.dev20260713+nightly
codegen_flags: <defaults>
</compile_context>

<pallas_src>
import functools

import jax
import jax.numpy as jnp
from jax import lax
from jax.experimental import pallas as pl
from jax.experimental.pallas import tpu as pltpu
from jax.experimental.pallas import tpu_sc as plsc

N_NODES = 10000
N_EDGES = 320000
D_FEAT = 128

NC = 2
NS = 16
NW = NC * NS

CHUNK = 128
NMAIN = N_EDGES // (NW * CHUNK)
REM = (N_EDGES - NW * NMAIN * CHUNK) // NW
NBUF = 3

ZN = 5
OROWS = 624
OTAIL = N_NODES - OROWS * NS


def _sc_scatter_gather(x, edge_index):
  mesh = plsc.VectorSubcoreMesh(core_axis_name="c", subcore_axis_name="s")

  @functools.partial(
      pl.kernel,
      out_type=jax.ShapeDtypeStruct((NC, N_NODES, D_FEAT), jnp.float32),
      mesh=mesh,
      scratch_types=[
          [pltpu.VMEM((2, CHUNK), jnp.int32)] * NBUF,
          [pltpu.VMEM((CHUNK, D_FEAT), jnp.float32)] * NBUF,
          pltpu.VMEM((2, NW * REM), jnp.int32),
          pltpu.VMEM((REM,), jnp.int32),
          pltpu.VMEM_SHARED((N_NODES, D_FEAT), jnp.float32),
          [pltpu.SemaphoreType.DMA] * NBUF,
          [pltpu.SemaphoreType.DMA] * NBUF,
          [pltpu.SemaphoreType.DMA] * NBUF,
          [pltpu.SemaphoreType.DMA] * NBUF,
          pltpu.SemaphoreType.DMA,
      ],
  )
  def k(x_hbm, ei_hbm, out_hbm, idxv, rows, exv, dex, acc,
        isem, gsem, hsem, ssem, xsem):
    cid = lax.axis_index("c")
    sid = lax.axis_index("s")
    tile = cid * NS + sid
    ebase = NMAIN * tile * CHUNK

    def load_idx(c, b):
      pltpu.async_copy(ei_hbm.at[:, pl.ds(ebase + c * CHUNK, CHUNK)],
                       idxv[b], isem[b])

    H = CHUNK // 2

    def gather(c, b):
      pltpu.make_async_copy(ei_hbm.at[:, pl.ds(0, CHUNK)], idxv[b],
                            isem[b]).wait()
      pltpu.async_copy(x_hbm.at[idxv[b].at[0, pl.ds(0, H)]],
                       rows[b].at[pl.ds(0, H)], gsem[b])
      pltpu.async_copy(x_hbm.at[idxv[b].at[0, pl.ds(H, H)]],
                       rows[b].at[pl.ds(H, H)], hsem[b])

    for c in range(NBUF):
      load_idx(c, c)
    for c in range(NBUF - 1):
      gather(c, c)
    pltpu.async_copy(ei_hbm.at[:, pl.ds(NW * NMAIN * CHUNK, NW * REM)],
                     exv, xsem)

    zb = NBUF - 1

    @pl.loop(0, CHUNK)
    def _zrow(i):
      for j in range(D_FEAT // 16):
        rows[zb][i, pl.ds(j * 16, 16)] = jnp.zeros((16,), jnp.float32)

    @pl.loop(0, ZN)
    def _zacc(z):
      pltpu.sync_copy(rows[zb], acc.at[pl.ds(sid * OROWS + z * CHUNK, CHUNK)])

    plsc.subcore_barrier()

    def _do_chunk(ci, b, bo, prefetch=True):
      pltpu.make_async_copy(x_hbm.at[idxv[b].at[0, pl.ds(0, H)]],
                            rows[b].at[pl.ds(0, H)], gsem[b]).wait()
      pltpu.make_async_copy(x_hbm.at[idxv[b].at[0, pl.ds(H, H)]],
                            rows[b].at[pl.ds(H, H)], hsem[b]).wait()
      pltpu.async_copy(rows[b], acc.at[idxv[b].at[1]], ssem[b], add=True)

      @pl.when(ci > 0)
      def _drain_prev():
        pltpu.make_async_copy(rows[bo], acc.at[idxv[bo].at[1]],
                              ssem[bo]).wait()

      if prefetch:
        @pl.when(ci + NBUF < NMAIN)
        def _prefetch_idx():
          load_idx(ci + NBUF, b)

        @pl.when(ci + NBUF - 1 < NMAIN)
        def _prefetch_gather():
          gather(ci + NBUF - 1, bo)

    @pl.loop(0, NMAIN, step=NBUF)
    def _group(ci0):
      for b in range(NBUF):
        _do_chunk(ci0 + b, b, (b + NBUF - 1) % NBUF)

    br, bl = NMAIN % NBUF, (NMAIN - 1) % NBUF
    pltpu.make_async_copy(ei_hbm.at[:, pl.ds(0, NW * REM)], exv, xsem).wait()
    dex[...] = exv[1, pl.ds(tile * REM, REM)]
    pltpu.async_copy(x_hbm.at[exv.at[0, pl.ds(tile * REM, REM)]],
                     rows[br].at[pl.ds(0, REM)], gsem[br])
    pltpu.make_async_copy(rows[bl], acc.at[idxv[bl].at[1]], ssem[bl]).wait()
    pltpu.make_async_copy(x_hbm.at[exv.at[0, pl.ds(tile * REM, REM)]],
                          rows[br].at[pl.ds(0, REM)], gsem[br]).wait()
    pltpu.sync_copy(rows[br].at[pl.ds(0, REM)], acc.at[dex], add=True)

    plsc.subcore_barrier()
    pltpu.sync_copy(acc.at[pl.ds(sid * OROWS, OROWS)],
                    out_hbm.at[cid, pl.ds(sid * OROWS, OROWS)])

    @pl.when(sid == NS - 1)
    def _tail():
      pltpu.sync_copy(acc.at[pl.ds(OROWS * NS, OTAIL)],
                      out_hbm.at[cid, pl.ds(OROWS * NS, OTAIL)])

  return k(x, edge_index)


def _tc_add(partial):
  def body(a_ref, b_ref, o_ref):
    o_ref[...] = a_ref[0] + b_ref[0]

  blk = 5000
  return pl.pallas_call(
      body,
      out_shape=jax.ShapeDtypeStruct((N_NODES, D_FEAT), jnp.float32),
      grid=(N_NODES // blk,),
      in_specs=[
          pl.BlockSpec((1, blk, D_FEAT), lambda i: (0, i, 0)),
          pl.BlockSpec((1, blk, D_FEAT), lambda i: (1, i, 0)),
      ],
      out_specs=pl.BlockSpec((blk, D_FEAT), lambda i: (i, 0)),
  )(partial, partial)


@jax.jit
def kernel(x, edge_index):
  partial = _sc_scatter_gather(x, edge_index)
  return _tc_add(partial)

# --- scband reference (transcript-rebuilt; emitter-appended) ---
"""Pipeline reference for scband-message-passing-multi-quant-v2-45492293599395 (READ-ONLY COPY).

The authoritative reference and input builder live on the scoring server;
editing this copy changes nothing except your own understanding.
"""

import jax, jax.numpy as jnp
import numpy as np

N_NODES = 10000
N_EDGES = 320000
D_FEAT = 128


def setup_inputs(seed: int = 0) -> dict:
    key = jax.random.key(seed)
    k1, k2 = jax.random.split(key)
    x = jax.random.normal(k1, (N_NODES, D_FEAT), dtype=jnp.float32)
    edge_index = jax.random.randint(k2, (2, N_EDGES), 0, N_NODES, dtype=jnp.int32)
    return {"x": x, "edge_index": edge_index}


def reference(x, edge_index):
    # MessagePassingMultiQuantV2.propagate with quant_fea=False (q_xw = Identity)
    # flow='source_to_target': i=1 (target/dst), j=0 (source/src)
    # message(x_j) = x_j  -> gather along node_dim=0 with edge_index[j]
    # aggregate = scatter_('add', msg, index=edge_index[i], dim=0, dim_size=N)
    src = edge_index[0]
    dst = edge_index[1]
    x_j = jnp.take(x, src, axis=0)          # message: gather source node features per edge
    msg = x_j                                 # identity message
    out = jax.ops.segment_sum(msg, dst, num_segments=N_NODES)  # 'add' aggregation
    return out

if __name__ == "__main__":
    import jax
    _d = setup_inputs()
    print(jax.jit(kernel)(*tuple(_d.values())))

</pallas_src>

<mosaic_0001>
#map = affine_map<(d0, d1) -> (0, 0)>
#map1 = affine_map<(d0, d1) -> (0, 0, 0)>
module attributes {stable_mosaic.version = 14 : i64} {
  func.func @k(%arg0: i32, %arg1: i32, %arg2: memref<10000x128xf32, #tpu.memory_space<hbm>>, %arg3: memref<2x320000xi32, #tpu.memory_space<hbm>>, %arg4: memref<2x10000x128xf32, #tpu.memory_space<hbm>>, %arg5: memref<2x128xi32, #tpu.memory_space<vmem>>, %arg6: memref<2x128xi32, #tpu.memory_space<vmem>>, %arg7: memref<2x128xi32, #tpu.memory_space<vmem>>, %arg8: memref<128x128xf32, #tpu.memory_space<vmem>>, %arg9: memref<128x128xf32, #tpu.memory_space<vmem>>, %arg10: memref<128x128xf32, #tpu.memory_space<vmem>>, %arg11: memref<2x512xi32, #tpu.memory_space<vmem>>, %arg12: memref<16xi32, #tpu.memory_space<vmem>>, %arg13: memref<10000x128xf32, #tpu.memory_space<vmem_shared>>, %arg14: memref<!tpu.dma_semaphore, #tpu.memory_space<semaphore_mem>>, %arg15: memref<!tpu.dma_semaphore, #tpu.memory_space<semaphore_mem>>, %arg16: memref<!tpu.dma_semaphore, #tpu.memory_space<semaphore_mem>>, %arg17: memref<!tpu.dma_semaphore, #tpu.memory_space<semaphore_mem>>, %arg18: memref<!tpu.dma_semaphore, #tpu.memory_space<semaphore_mem>>, %arg19: memref<!tpu.dma_semaphore, #tpu.memory_space<semaphore_mem>>, %arg20: memref<!tpu.dma_semaphore, #tpu.memory_space<semaphore_mem>>, %arg21: memref<!tpu.dma_semaphore, #tpu.memory_space<semaphore_mem>>, %arg22: memref<!tpu.dma_semaphore, #tpu.memory_space<semaphore_mem>>, %arg23: memref<!tpu.dma_semaphore, #tpu.memory_space<semaphore_mem>>, %arg24: memref<!tpu.dma_semaphore, #tpu.memory_space<semaphore_mem>>, %arg25: memref<!tpu.dma_semaphore, #tpu.memory_space<semaphore_mem>>, %arg26: memref<!tpu.dma_semaphore, #tpu.memory_space<semaphore_mem>>) attributes {dimension_semantics = [#tpu.dimension_semantics<core_parallel>, #tpu.dimension_semantics<subcore_parallel>], iteration_bounds = array<i64: 2, 16>, scalar_prefetch = 0 : i64, scratch_operands = 22 : i64, tpu.core_type = #tpu.core_type<sc_vector_subcore>, window_params = [{transform_indices = #map}, {transform_indices = #map}, {transform_indices = #map1}]} {
    %mul3A = arith.constant 16 : i32
    %mul3A_0 = arith.muli %arg0, %mul3A : i32
    %add3A = arith.addi %mul3A_0, %arg1 : i32
    %mul3A_1 = arith.constant 78 : i32
    %mul3A_2 = arith.muli %mul3A_1, %add3A : i32
    %mul3A_3 = arith.constant 128 : i32
    %mul3A_4 = arith.muli %mul3A_2, %mul3A_3 : i32
    %add3A_5 = arith.constant 0 : i32
    %add3A_6 = arith.addi %mul3A_4, %add3A_5 : i32
    %dma_start3A = arith.constant 0 : i32
    %dma_start3A_7 = tpu.memref_slice %arg3[%dma_start3A, %add3A_6] : memref<2x320000xi32, #tpu.memory_space<hbm>> -> memref<2x128xi32, #tpu.memory_space<hbm>>
    %dma_start3A_8 = arith.constant 0 : i32
    %dma_start3A_9 = tpu.memref_slice %arg3[%dma_start3A_8, %add3A_6] : memref<2x320000xi32, #tpu.memory_space<hbm>> -> memref<2x128xi32, #tpu.memory_space<hbm>>
    tpu.enqueue_dma source(%dma_start3A_9 : memref<2x128xi32, #tpu.memory_space<hbm>>) target(%arg5 : memref<2x128xi32, #tpu.memory_space<vmem>>) target_semaphore(%arg14 : memref<!tpu.dma_semaphore, #tpu.memory_space<semaphore_mem>>)
    %add3A_10 = arith.constant 128 : i32
    %add3A_11 = arith.addi %mul3A_4, %add3A_10 : i32
    %dma_start3A_12 = arith.constant 0 : i32
    %dma_start3A_13 = tpu.memref_slice %arg3[%dma_start3A_12, %add3A_11] : memref<2x320000xi32, #tpu.memory_space<hbm>> -> memref<2x128xi32, #tpu.memory_space<hbm>>
    %dma_start3A_14 = arith.constant 0 : i32
    %dma_start3A_15 = tpu.memref_slice %arg3[%dma_start3A_14, %add3A_11] : memref<2x320000xi32, #tpu.memory_space<hbm>> -> memref<2x128xi32, #tpu.memory_space<hbm>>
    tpu.enqueue_dma source(%dma_start3A_15 : memref<2x128xi32, #tpu.memory_space<hbm>>) target(%arg6 : memref<2x128xi32, #tpu.memory_space<vmem>>) target_semaphore(%arg15 : memref<!tpu.dma_semaphore, #tpu.memory_space<semaphore_mem>>)
    %add3A_16 = arith.constant 256 : i32
    %add3A_17 = arith.addi %mul3A_4, %add3A_16 : i32
    %dma_start3A_18 = arith.constant 0 : i32
    %dma_start3A_19 = tpu.memref_slice %arg3[%dma_start3A_18, %add3A_17] : memref<2x320000xi32, #tpu.memory_space<hbm>> -> memref<2x128xi32, #tpu.memory_space<hbm>>
    %dma_start3A_20 = arith.constant 0 : i32
    %dma_start3A_21 = tpu.memref_slice %arg3[%dma_start3A_20, %add3A_17] : memref<2x320000xi32, #tpu.memory_space<hbm>> -> memref<2x128xi32, #tpu.memory_space<hbm>>
    tpu.enqueue_dma source(%dma_start3A_21 : memref<2x128xi32, #tpu.memory_space<hbm>>) target(%arg7 : memref<2x128xi32, #tpu.memory_space<vmem>>) target_semaphore(%arg16 : memref<!tpu.dma_semaphore, #tpu.memory_space<semaphore_mem>>)
    %dma_wait3A = arith.constant 0 : i32
    %dma_wait3A_22 = arith.constant 0 : i32
    %dma_wait3A_23 = tpu.memref_slice %arg3[%dma_wait3A, %dma_wait3A_22] : memref<2x320000xi32, #tpu.memory_space<hbm>> -> memref<2x128xi32, #tpu.memory_space<hbm>>
    %dma_wait3A_24 = arith.constant 0 : i32
    %dma_wait3A_25 = arith.constant 0 : i32
    %dma_wait3A_26 = tpu.memref_slice %arg3[%dma_wait3A_24, %dma_wait3A_25] : memref<2x320000xi32, #tpu.memory_space<hbm>> -> memref<2x128xi32, #tpu.memory_space<hbm>>
    tpu.wait_dma2 semaphore(%arg14 : memref<!tpu.dma_semaphore, #tpu.memory_space<semaphore_mem>>) src(%dma_wait3A_26 : memref<2x128xi32, #tpu.memory_space<hbm>>) dst(%arg5 : memref<2x128xi32, #tpu.memory_space<vmem>>)
    %dma_start3A_27 = arith.constant 0 : i32
    %dma_start3A_28 = arith.constant 0 : i32
    %dma_start3A_29 = arith.constant 0 : i32
    %dma_start3A_30 = tpu.memref_slice %arg8[%dma_start3A_28, %dma_start3A_29] : memref<128x128xf32, #tpu.memory_space<vmem>> -> memref<64x128xf32, #tpu.memory_space<vmem>>
    %dma_start3A_31 = arith.constant 0 : i32
    %dma_start3A_32 = tpu.memref_slice %arg5[%dma_start3A_27, %dma_start3A_31] : memref<2x128xi32, #tpu.memory_space<vmem>> -> memref<1x64xi32, #tpu.memory_space<vmem>>
    %dma_start3A_33 = tpu.memref_squeeze %dma_start3A_32 : memref<1x64xi32, #tpu.memory_space<vmem>> -> memref<64xi32, #tpu.memory_space<vmem>>
    %dma_start3A_34 = arith.constant 0 : i32
    %dma_start3A_35 = arith.constant 0 : i32
    %dma_start3A_36 = tpu.memref_slice %arg2[%dma_start3A_34, %dma_start3A_35] : memref<10000x128xf32, #tpu.memory_space<hbm>> -> memref<10000x128xf32, #tpu.memory_space<hbm>>
    tpu.enqueue_indirect_dma source(%dma_start3A_36 : memref<10000x128xf32, #tpu.memory_space<hbm>>) target(%dma_start3A_30 : memref<64x128xf32, #tpu.memory_space<vmem>>) offsets(%dma_start3A_33 : memref<64xi32, #tpu.memory_space<vmem>>) semaphore(%arg17 : memref<!tpu.dma_semaphore, #tpu.memory_space<semaphore_mem>>)
    %dma_start3A_37 = arith.constant 0 : i32
    %dma_start3A_38 = arith.constant 64 : i32
    %dma_start3A_39 = arith.constant 0 : i32
    %dma_start3A_40 = tpu.memref_slice %arg8[%dma_start3A_38, %dma_start3A_39] : memref<128x128xf32, #tpu.memory_space<vmem>> -> memref<64x128xf32, #tpu.memory_space<vmem>>
    %dma_start3A_41 = arith.constant 64 : i32
    %dma_start3A_42 = tpu.memref_slice %arg5[%dma_start3A_37, %dma_start3A_41] : memref<2x128xi32, #tpu.memory_space<vmem>> -> memref<1x64xi32, #tpu.memory_space<vmem>>
    %dma_start3A_43 = tpu.memref_squeeze %dma_start3A_42 : memref<1x64xi32, #tpu.memory_space<vmem>> -> memref<64xi32, #tpu.memory_space<vmem>>
    %dma_start3A_44 = arith.constant 0 : i32
    %dma_start3A_45 = arith.constant 0 : i32
    %dma_start3A_46 = tpu.memref_slice %arg2[%dma_start3A_44, %dma_start3A_45] : memref<10000x128xf32, #tpu.memory_space<hbm>> -> memref<10000x128xf32, #tpu.memory_space<hbm>>
    tpu.enqueue_indirect_dma source(%dma_start3A_46 : memref<10000x128xf32, #tpu.memory_space<hbm>>) target(%dma_start3A_40 : memref<64x128xf32, #tpu.memory_space<vmem>>) offsets(%dma_start3A_43 : memref<64xi32, #tpu.memory_space<vmem>>) semaphore(%arg20 : memref<!tpu.dma_semaphore, #tpu.memory_space<semaphore_mem>>)
    %dma_wait3A_47 = arith.constant 0 : i32
    %dma_wait3A_48 = arith.constant 0 : i32
    %dma_wait3A_49 = tpu.memref_slice %arg3[%dma_wait3A_47, %dma_wait3A_48] : memref<2x320000xi32, #tpu.memory_space<hbm>> -> memref<2x128xi32, #tpu.memory_space<hbm>>
    %dma_wait3A_50 = arith.constant 0 : i32
    %dma_wait3A_51 = arith.constant 0 : i32
    %dma_wait3A_52 = tpu.memref_slice %arg3[%dma_wait3A_50, %dma_wait3A_51] : memref<2x320000xi32, #tpu.memory_space<hbm>> -> memref<2x128xi32, #tpu.memory_space<hbm>>
    tpu.wait_dma2 semaphore(%arg15 : memref<!tpu.dma_semaphore, #tpu.memory_space<semaphore_mem>>) src(%dma_wait3A_52 : memref<2x128xi32, #tpu.memory_space<hbm>>) dst(%arg6 : memref<2x128xi32, #tpu.memory_space<vmem>>)
    %dma_start3A_53 = arith.constant 0 : i32
    %dma_start3A_54 = arith.constant 0 : i32
    %dma_start3A_55 = arith.constant 0 : i32
    %dma_start3A_56 = tpu.memref_slice %arg9[%dma_start3A_54, %dma_start3A_55] : memref<128x128xf32, #tpu.memory_space<vmem>> -> memref<64x128xf32, #tpu.memory_space<vmem>>
    %dma_start3A_57 = arith.constant 0 : i32
    %dma_start3A_58 = tpu.memref_slice %arg6[%dma_start3A_53, %dma_start3A_57] : memref<2x128xi32, #tpu.memory_space<vmem>> -> memref<1x64xi32, #tpu.memory_space<vmem>>
    %dma_start3A_59 = tpu.memref_squeeze %dma_start3A_58 : memref<1x64xi32, #tpu.memory_space<vmem>> -> memref<64xi32, #tpu.memory_space<vmem>>
    %dma_start3A_60 = arith.constant 0 : i32
    %dma_start3A_61 = arith.constant 0 : i32
    %dma_start3A_62 = tpu.memref_slice %arg2[%dma_start3A_60, %dma_start3A_61] : memref<10000x128xf32, #tpu.memory_space<hbm>> -> memref<10000x128xf32, #tpu.memory_space<hbm>>
    tpu.enqueue_indirect_dma source(%dma_start3A_62 : memref<10000x128xf32, #tpu.memory_space<hbm>>) target(%dma_start3A_56 : memref<64x128xf32, #tpu.memory_space<vmem>>) offsets(%dma_start3A_59 : memref<64xi32, #tpu.memory_space<vmem>>) semaphore(%arg18 : memref<!tpu.dma_semaphore, #tpu.memory_space<semaphore_mem>>)
    %dma_start3A_63 = arith.constant 0 : i32
    %dma_start3A_64 = arith.constant 64 : i32
    %dma_start3A_65 = arith.constant 0 : i32
    %dma_start3A_66 = tpu.memref_slice %arg9[%dma_start3A_64, %dma_start3A_65] : memref<128x128xf32, #tpu.memory_space<vmem>> -> memref<64x128xf32, #tpu.memory_space<vmem>>
    %dma_start3A_67 = arith.constant 64 : i32
    %dma_start3A_68 = tpu.memref_slice %arg6[%dma_start3A_63, %dma_start3A_67] : memref<2x128xi32, #tpu.memory_space<vmem>> -> memref<1x64xi32, #tpu.memory_space<vmem>>
    %dma_start3A_69 = tpu.memref_squeeze %dma_start3A_68 : memref<1x64xi32, #tpu.memory_space<vmem>> -> memref<64xi32, #tpu.memory_space<vmem>>
    %dma_start3A_70 = arith.constant 0 : i32
    %dma_start3A_71 = arith.constant 0 : i32
    %dma_start3A_72 = tpu.memref_slice %arg2[%dma_start3A_70, %dma_start3A_71] : memref<10000x128xf32, #tpu.memory_space<hbm>> -> memref<10000x128xf32, #tpu.memory_space<hbm>>
    tpu.enqueue_indirect_dma source(%dma_start3A_72 : memref<10000x128xf32, #tpu.memory_space<hbm>>) target(%dma_start3A_66 : memref<64x128xf32, #tpu.memory_space<vmem>>) offsets(%dma_start3A_69 : memref<64xi32, #tpu.memory_space<vmem>>) semaphore(%arg21 : memref<!tpu.dma_semaphore, #tpu.memory_space<semaphore_mem>>)
    %dma_start3A_73 = arith.constant 0 : i32
    %dma_start3A_74 = arith.constant 319488 : i32
    %dma_start3A_75 = tpu.memref_slice %arg3[%dma_start3A_73, %dma_start3A_74] : memref<2x320000xi32, #tpu.memory_space<hbm>> -> memref<2x512xi32, #tpu.memory_space<hbm>>
    %dma_start3A_76 = arith.constant 0 : i32
    %dma_start3A_77 = arith.constant 319488 : i32
    %dma_start3A_78 = tpu.memref_slice %arg3[%dma_start3A_76, %dma_start3A_77] : memref<2x320000xi32, #tpu.memory_space<hbm>> -> memref<2x512xi32, #tpu.memory_space<hbm>>
    tpu.enqueue_dma source(%dma_start3A_78 : memref<2x512xi32, #tpu.memory_space<hbm>>) target(%arg11 : memref<2x512xi32, #tpu.memory_space<vmem>>) target_semaphore(%arg26 : memref<!tpu.dma_semaphore, #tpu.memory_space<semaphore_mem>>)
    %scan3A = arith.constant 0 : i32
    %scan3A_79 = arith.constant 128 : i32
    %scan3A_80 = arith.addi %scan3A, %scan3A_79 : i32
    %scan3A_81 = arith.constant 1 : i32
    scf.for %scan3A_144 = %scan3A to %scan3A_80 step %scan3A_81  : i32 {
      %mul3A_145 = arith.constant 1 : i32
      %mul3A_146 = arith.muli %scan3A_144, %mul3A_145 : i32
      %add3A_147 = arith.constant 0 : i32
      %add3A_148 = arith.addi %add3A_147, %mul3A_146 : i32
      %broadcast_in_dim3A = arith.constant 0.000000e+00 : f32
      %broadcast_in_dim3A_149 = vector.broadcast %broadcast_in_dim3A : f32 to vector<16xf32>
      %swap3A_150 = arith.index_cast %add3A_148 : i32 to index
      %swap3A_151 = arith.constant 0 : index
      %swap3A_152 = tpu.vector_load %arg10[%swap3A_150, %swap3A_151] {strides = array<i32>} : memref<128x128xf32, #tpu.memory_space<vmem>>, vector<1x16xf32>,
      %swap3A_153 = vector.shape_cast %swap3A_152 : vector<1x16xf32> to vector<16xf32>
      %swap3A_154 = vector.shape_cast %broadcast_in_dim3A_149 : vector<16xf32> to vector<1x16xf32>
      tpu.vector_store %arg10[%swap3A_150, %swap3A_151], %swap3A_154 {strides = array<i32>} : memref<128x128xf32, #tpu.memory_space<vmem>>, vector<1x16xf32>,
      %broadcast_in_dim3A_155 = arith.constant 0.000000e+00 : f32
      %broadcast_in_dim3A_156 = vector.broadcast %broadcast_in_dim3A_155 : f32 to vector<16xf32>
      %swap3A_157 = arith.index_cast %add3A_148 : i32 to index
      %swap3A_158 = arith.constant 16 : index
      %swap3A_159 = tpu.vector_load %arg10[%swap3A_157, %swap3A_158] {strides = array<i32>} : memref<128x128xf32, #tpu.memory_space<vmem>>, vector<1x16xf32>,
      %swap3A_160 = vector.shape_cast %swap3A_159 : vector<1x16xf32> to vector<16xf32>
      %swap3A_161 = vector.shape_cast %broadcast_in_dim3A_156 : vector<16xf32> to vector<1x16xf32>
      tpu.vector_store %arg10[%swap3A_157, %swap3A_158], %swap3A_161 {strides = array<i32>} : memref<128x128xf32, #tpu.memory_space<vmem>>, vector<1x16xf32>,
      %broadcast_in_dim3A_162 = arith.constant 0.000000e+00 : f32
      %broadcast_in_dim3A_163 = vector.broadcast %broadcast_in_dim3A_162 : f32 to vector<16xf32>
      %swap3A_164 = arith.index_cast %add3A_148 : i32 to index
      %swap3A_165 = arith.constant 32 : index
      %swap3A_166 = tpu.vector_load %arg10[%swap3A_164, %swap3A_165] {strides = array<i32>} : memref<128x128xf32, #tpu.memory_space<vmem>>, vector<1x16xf32>,
      %swap3A_167 = vector.shape_cast %swap3A_166 : vector<1x16xf32> to vector<16xf32>
      %swap3A_168 = vector.shape_cast %broadcast_in_dim3A_163 : vector<16xf32> to vector<1x16xf32>
      tpu.vector_store %arg10[%swap3A_164, %swap3A_165], %swap3A_168 {strides = array<i32>} : memref<128x128xf32, #tpu.memory_space<vmem>>, vector<1x16xf32>,
      %broadcast_in_dim3A_169 = arith.constant 0.000000e+00 : f32
      %broadcast_in_dim3A_170 = vector.broadcast %broadcast_in_dim3A_169 : f32 to vector<16xf32>
      %swap3A_171 = arith.index_cast %add3A_148 : i32 to index
      %swap3A_172 = arith.constant 48 : index
      %swap3A_173 = tpu.vector_load %arg10[%swap3A_171, %swap3A_172] {strides = array<i32>} : memref<128x128xf32, #tpu.memory_space<vmem>>, vector<1x16xf32>,
      %swap3A_174 = vector.shape_cast %swap3A_173 : vector<1x16xf32> to vector<16xf32>
      %swap3A_175 = vector.shape_cast %broadcast_in_dim3A_170 : vector<16xf32> to vector<1x16xf32>
      tpu.vector_store %arg10[%swap3A_171, %swap3A_172], %swap3A_175 {strides = array<i32>} : memref<128x128xf32, #tpu.memory_space<vmem>>, vector<1x16xf32>,
      %broadcast_in_dim3A_176 = arith.constant 0.000000e+00 : f32
      %broadcast_in_dim3A_177 = vector.broadcast %broadcast_in_dim3A_176 : f32 to vector<16xf32>
      %swap3A_178 = arith.index_cast %add3A_148 : i32 to index
      %swap3A_179 = arith.constant 64 : index
      %swap3A_180 = tpu.vector_load %arg10[%swap3A_178, %swap3A_179] {strides = array<i32>} : memref<128x128xf32, #tpu.memory_space<vmem>>, vector<1x16xf32>,
      %swap3A_181 = vector.shape_cast %swap3A_180 : vector<1x16xf32> to vector<16xf32>
      %swap3A_182 = vector.shape_cast %broadcast_in_dim3A_177 : vector<16xf32> to vector<1x16xf32>
      tpu.vector_store %arg10[%swap3A_178, %swap3A_179], %swap3A_182 {strides = array<i32>} : memref<128x128xf32, #tpu.memory_space<vmem>>, vector<1x16xf32>,
      %broadcast_in_dim3A_183 = arith.constant 0.000000e+00 : f32
      %broadcast_in_dim3A_184 = vector.broadcast %broadcast_in_dim3A_183 : f32 to vector<16xf32>
      %swap3A_185 = arith.index_cast %add3A_148 : i32 to index
      %swap3A_186 = arith.constant 80 : index
      %swap3A_187 = tpu.vector_load %arg10[%swap3A_185, %swap3A_186] {strides = array<i32>} : memref<128x128xf32, #tpu.memory_space<vmem>>, vector<1x16xf32>,
      %swap3A_188 = vector.shape_cast %swap3A_187 : vector<1x16xf32> to vector<16xf32>
      %swap3A_189 = vector.shape_cast %broadcast_in_dim3A_184 : vector<16xf32> to vector<1x16xf32>
      tpu.vector_store %arg10[%swap3A_185, %swap3A_186], %swap3A_189 {strides = array<i32>} : memref<128x128xf32, #tpu.memory_space<vmem>>, vector<1x16xf32>,
      %broadcast_in_dim3A_190 = arith.constant 0.000000e+00 : f32
      %broadcast_in_dim3A_191 = vector.broadcast %broadcast_in_dim3A_190 : f32 to vector<16xf32>
      %swap3A_192 = arith.index_cast %add3A_148 : i32 to index
      %swap3A_193 = arith.constant 96 : index
      %swap3A_194 = tpu.vector_load %arg10[%swap3A_192, %swap3A_193] {strides = array<i32>} : memref<128x128xf32, #tpu.memory_space<vmem>>, vector<1x16xf32>,
      %swap3A_195 = vector.shape_cast %swap3A_194 : vector<1x16xf32> to vector<16xf32>
      %swap3A_196 = vector.shape_cast %broadcast_in_dim3A_191 : vector<16xf32> to vector<1x16xf32>
      tpu.vector_store %arg10[%swap3A_192, %swap3A_193], %swap3A_196 {strides = array<i32>} : memref<128x128xf32, #tpu.memory_space<vmem>>, vector<1x16xf32>,
      %broadcast_in_dim3A_197 = arith.constant 0.000000e+00 : f32
      %broadcast_in_dim3A_198 = vector.broadcast %broadcast_in_dim3A_197 : f32 to vector<16xf32>
      %swap3A_199 = arith.index_cast %add3A_148 : i32 to index
      %swap3A_200 = arith.constant 112 : index
      %swap3A_201 = tpu.vector_load %arg10[%swap3A_199, %swap3A_200] {strides = array<i32>} : memref<128x128xf32, #tpu.memory_space<vmem>>, vector<1x16xf32>,
      %swap3A_202 = vector.shape_cast %swap3A_201 : vector<1x16xf32> to vector<16xf32>
      %swap3A_203 = vector.shape_cast %broadcast_in_dim3A_198 : vector<16xf32> to vector<1x16xf32>
      tpu.vector_store %arg10[%swap3A_199, %swap3A_200], %swap3A_203 {strides = array<i32>} : memref<128x128xf32, #tpu.memory_space<vmem>>, vector<1x16xf32>,
    }
    %scan3A_82 = arith.constant 128 : i32
    %scan3A_83 = arith.constant 0 : i32
    %scan3A_84 = arith.constant 5 : i32
    %scan3A_85 = arith.addi %scan3A_83, %scan3A_84 : i32
    %scan3A_86 = arith.constant 1 : i32
    scf.for %scan3A_144 = %scan3A_83 to %scan3A_85 step %scan3A_86  : i32 {
      %mul3A_145 = arith.constant 1 : i32
      %mul3A_146 = arith.muli %scan3A_144, %mul3A_145 : i32
      %add3A_147 = arith.constant 0 : i32
      %add3A_148 = arith.addi %add3A_147, %mul3A_146 : i32
      %mul3A_149 = arith.constant 624 : i32
      %mul3A_150 = arith.muli %arg1, %mul3A_149 : i32
      %mul3A_151 = arith.constant 128 : i32
      %mul3A_152 = arith.muli %add3A_148, %mul3A_151 : i32
      %add3A_153 = arith.addi %mul3A_150, %mul3A_152 : i32
      "tpu.region"() ({
        %run_scoped3A = tpu.sem_alloc : memref<!tpu.dma_semaphore, #tpu.memory_space<semaphore_mem>>
        %dma_start3A_154 = arith.constant 0 : i32
        %dma_start3A_155 = tpu.memref_slice %arg13[%add3A_153, %dma_start3A_154] : memref<10000x128xf32, #tpu.memory_space<vmem_shared>> -> memref<128x128xf32, #tpu.memory_space<vmem_shared>>
        %dma_start3A_156 = arith.constant 0 : i32
        %dma_start3A_157 = tpu.memref_slice %arg13[%add3A_153, %dma_start3A_156] : memref<10000x128xf32, #tpu.memory_space<vmem_shared>> -> memref<128x128xf32, #tpu.memory_space<vmem_shared>>
        tpu.enqueue_dma source(%arg10 : memref<128x128xf32, #tpu.memory_space<vmem>>) target(%dma_start3A_157 : memref<128x128xf32, #tpu.memory_space<vmem_shared>>) target_semaphore(%run_scoped3A : memref<!tpu.dma_semaphore, #tpu.memory_space<semaphore_mem>>)
        %dma_wait3A_158 = arith.constant 0 : i32
        %dma_wait3A_159 = tpu.memref_slice %arg13[%add3A_153, %dma_wait3A_158] : memref<10000x128xf32, #tpu.memory_space<vmem_shared>> -> memref<128x128xf32, #tpu.memory_space<vmem_shared>>
        %dma_wait3A_160 = arith.constant 0 : i32
        %dma_wait3A_161 = tpu.memref_slice %arg13[%add3A_153, %dma_wait3A_160] : memref<10000x128xf32, #tpu.memory_space<vmem_shared>> -> memref<128x128xf32, #tpu.memory_space<vmem_shared>>
        tpu.wait_dma2 semaphore(%run_scoped3A : memref<!tpu.dma_semaphore, #tpu.memory_space<semaphore_mem>>) src(%arg10 : memref<128x128xf32, #tpu.memory_space<vmem>>) dst(%dma_wait3A_161 : memref<128x128xf32, #tpu.memory_space<vmem_shared>>)
        tpu.yield
      }) : () -> ()
    }
    %scan3A_87 = arith.constant 5 : i32
    %barrier3A = arith.constant 0 : index
    tpu.barrier barrier_id(%barrier3A)
    %scan3A_88 = arith.constant 0 : i32
    %scan3A_89 = arith.constant 26 : i32
    %scan3A_90 = arith.addi %scan3A_88, %scan3A_89 : i32
    %scan3A_91 = arith.constant 1 : i32
    scf.for %scan3A_144 = %scan3A_88 to %scan3A_90 step %scan3A_91  : i32 {
      %mul3A_145 = arith.constant 3 : i32
      %mul3A_146 = arith.muli %scan3A_144, %mul3A_145 : i32
      %add3A_147 = arith.constant 0 : i32
      %add3A_148 = arith.addi %add3A_147, %mul3A_146 : i32
      %add3A_149 = arith.constant 0 : i32
      %add3A_150 = arith.addi %add3A_148, %add3A_149 : i32
      %dma_wait3A_151 = arith.constant 0 : i32
      %dma_wait3A_152 = arith.constant 0 : i32
      %dma_wait3A_153 = arith.constant 0 : i32
      %dma_wait3A_154 = tpu.memref_slice %arg8[%dma_wait3A_152, %dma_wait3A_153] : memref<128x128xf32, #tpu.memory_space<vmem>> -> memref<64x128xf32, #tpu.memory_space<vmem>>
      %dma_wait3A_155 = arith.constant 0 : i32
      %dma_wait3A_156 = tpu.memref_slice %arg5[%dma_wait3A_151, %dma_wait3A_155] : memref<2x128xi32, #tpu.memory_space<vmem>> -> memref<1x64xi32, #tpu.memory_space<vmem>>
      %dma_wait3A_157 = tpu.memref_squeeze %dma_wait3A_156 : memref<1x64xi32, #tpu.memory_space<vmem>> -> memref<64xi32, #tpu.memory_space<vmem>>
      %dma_wait3A_158 = arith.constant 0 : i32
      %dma_wait3A_159 = arith.constant 0 : i32
      %dma_wait3A_160 = tpu.memref_slice %arg2[%dma_wait3A_158, %dma_wait3A_159] : memref<10000x128xf32, #tpu.memory_space<hbm>> -> memref<10000x128xf32, #tpu.memory_space<hbm>>
      tpu.wait_indirect_dma semaphore(%arg17 : memref<!tpu.dma_semaphore, #tpu.memory_space<semaphore_mem>>) src(%dma_wait3A_160 : memref<10000x128xf32, #tpu.memory_space<hbm>>) dst(%dma_wait3A_154 : memref<64x128xf32, #tpu.memory_space<vmem>>)
      %dma_wait3A_161 = arith.constant 0 : i32
      %dma_wait3A_162 = arith.constant 64 : i32
      %dma_wait3A_163 = arith.constant 0 : i32
      %dma_wait3A_164 = tpu.memref_slice %arg8[%dma_wait3A_162, %dma_wait3A_163] : memref<128x128xf32, #tpu.memory_space<vmem>> -> memref<64x128xf32, #tpu.memory_space<vmem>>
      %dma_wait3A_165 = arith.constant 64 : i32
      %dma_wait3A_166 = tpu.memref_slice %arg5[%dma_wait3A_161, %dma_wait3A_165] : memref<2x128xi32, #tpu.memory_space<vmem>> -> memref<1x64xi32, #tpu.memory_space<vmem>>
      %dma_wait3A_167 = tpu.memref_squeeze %dma_wait3A_166 : memref<1x64xi32, #tpu.memory_space<vmem>> -> memref<64xi32, #tpu.memory_space<vmem>>
      %dma_wait3A_168 = arith.constant 0 : i32
      %dma_wait3A_169 = arith.constant 0 : i32
      %dma_wait3A_170 = tpu.memref_slice %arg2[%dma_wait3A_168, %dma_wait3A_169] : memref<10000x128xf32, #tpu.memory_space<hbm>> -> memref<10000x128xf32, #tpu.memory_space<hbm>>
      tpu.wait_indirect_dma semaphore(%arg20 : memref<!tpu.dma_semaphore, #tpu.memory_space<semaphore_mem>>) src(%dma_wait3A_170 : memref<10000x128xf32, #tpu.memory_space<hbm>>) dst(%dma_wait3A_164 : memref<64x128xf32, #tpu.memory_space<vmem>>)
      %dma_start3A_171 = arith.constant 1 : i32
      %dma_start3A_172 = arith.constant 0 : i32
      %dma_start3A_173 = tpu.memref_slice %arg5[%dma_start3A_171, %dma_start3A_172] : memref<2x128xi32, #tpu.memory_space<vmem>> -> memref<1x128xi32, #tpu.memory_space<vmem>>
      %dma_start3A_174 = tpu.memref_squeeze %dma_start3A_173 : memref<1x128xi32, #tpu.memory_space<vmem>> -> memref<128xi32, #tpu.memory_space<vmem>>
      %dma_start3A_175 = arith.constant 0 : i32
      %dma_start3A_176 = arith.constant 0 : i32
      %dma_start3A_177 = tpu.memref_slice %arg13[%dma_start3A_175, %dma_start3A_176] : memref<10000x128xf32, #tpu.memory_space<vmem_shared>> -> memref<10000x128xf32, #tpu.memory_space<vmem_shared>>
      tpu.enqueue_indirect_dma source(%arg8 : memref<128x128xf32, #tpu.memory_space<vmem>>) target(%dma_start3A_177 : memref<10000x128xf32, #tpu.memory_space<vmem_shared>>) offsets(%dma_start3A_174 : memref<128xi32, #tpu.memory_space<vmem>>) semaphore(%arg23 : memref<!tpu.dma_semaphore, #tpu.memory_space<semaphore_mem>>) {add = true}
      %gt3A = arith.constant 0 : i32
      %gt3A_178 = arith.cmpi sgt, %add3A_150, %gt3A : i32
      %convert_element_type3A_179 = arith.extui %gt3A_178 : i1 to i32
      %cond3A_180 = arith.constant 0 : i32
      %cond3A_181 = arith.cmpi ne, %convert_element_type3A_179, %cond3A_180 : i32
      scf.if %cond3A_181 {
        %dma_wait3A_296 = arith.constant 1 : i32
        %dma_wait3A_297 = arith.constant 0 : i32
        %dma_wait3A_298 = tpu.memref_slice %arg7[%dma_wait3A_296, %dma_wait3A_297] : memref<2x128xi32, #tpu.memory_space<vmem>> -> memref<1x128xi32, #tpu.memory_space<vmem>>
        %dma_wait3A_299 = tpu.memref_squeeze %dma_wait3A_298 : memref<1x128xi32, #tpu.memory_space<vmem>> -> memref<128xi32, #tpu.memory_space<vmem>>
        %dma_wait3A_300 = arith.constant 0 : i32
        %dma_wait3A_301 = arith.constant 0 : i32
        %dma_wait3A_302 = tpu.memref_slice %arg13[%dma_wait3A_300, %dma_wait3A_301] : memref<10000x128xf32, #tpu.memory_space<vmem_shared>> -> memref<10000x128xf32, #tpu.memory_space<vmem_shared>>
        tpu.wait_indirect_dma semaphore(%arg25 : memref<!tpu.dma_semaphore, #tpu.memory_space<semaphore_mem>>) src(%arg10 : memref<128x128xf32, #tpu.memory_space<vmem>>) dst(%dma_wait3A_302 : memref<10000x128xf32, #tpu.memory_space<vmem_shared>>)
      } else {
      }
      %add3A_182 = arith.constant 3 : i32
      %add3A_183 = arith.addi %add3A_150, %add3A_182 : i32
      %lt3A = arith.constant 78 : i32
      %lt3A_184 = arith.cmpi slt, %add3A_183, %lt3A : i32
      %convert_element_type3A_185 = arith.extui %lt3A_184 : i1 to i32
      %cond3A_186 = arith.constant 0 : i32
      %cond3A_187 = arith.cmpi ne, %convert_element_type3A_185, %cond3A_186 : i32
      scf.if %cond3A_187 {
        %add3A_296 = arith.constant 3 : i32
        %add3A_297 = arith.addi %add3A_150, %add3A_296 : i32
        %mul3A_298 = arith.constant 128 : i32
        %mul3A_299 = arith.muli %add3A_297, %mul3A_298 : i32
        %add3A_300 = arith.addi %mul3A_4, %mul3A_299 : i32
        %dma_start3A_301 = arith.constant 0 : i32
        %dma_start3A_302 = tpu.memref_slice %arg3[%dma_start3A_301, %add3A_300] : memref<2x320000xi32, #tpu.memory_space<hbm>> -> memref<2x128xi32, #tpu.memory_space<hbm>>
        %dma_start3A_303 = arith.constant 0 : i32
        %dma_start3A_304 = tpu.memref_slice %arg3[%dma_start3A_303, %add3A_300] : memref<2x320000xi32, #tpu.memory_space<hbm>> -> memref<2x128xi32, #tpu.memory_space<hbm>>
        tpu.enqueue_dma source(%dma_start3A_304 : memref<2x128xi32, #tpu.memory_space<hbm>>) target(%arg5 : memref<2x128xi32, #tpu.memory_space<vmem>>) target_semaphore(%arg14 : memref<!tpu.dma_semaphore, #tpu.memory_space<semaphore_mem>>)
      } else {
      }
      %add3A_188 = arith.constant 3 : i32
      %add3A_189 = arith.addi %add3A_150, %add3A_188 : i32
      %sub3A = arith.constant 1 : i32
      %sub3A_190 = arith.subi %add3A_189, %sub3A : i32
      %lt3A_191 = arith.constant 78 : i32
      %lt3A_192 = arith.cmpi slt, %sub3A_190, %lt3A_191 : i32
      %convert_element_type3A_193 = arith.extui %lt3A_192 : i1 to i32
      %cond3A_194 = arith.constant 0 : i32
      %cond3A_195 = arith.cmpi ne, %convert_element_type3A_193, %cond3A_194 : i32
      scf.if %cond3A_195 {
        %add3A_296 = arith.constant 3 : i32
        %add3A_297 = arith.addi %add3A_150, %add3A_296 : i32
        %sub3A_298 = arith.constant 1 : i32
        %sub3A_299 = arith.subi %add3A_297, %sub3A_298 : i32
        %dma_wait3A_300 = arith.constant 0 : i32
        %dma_wait3A_301 = arith.constant 0 : i32
        %dma_wait3A_302 = tpu.memref_slice %arg3[%dma_wait3A_300, %dma_wait3A_301] : memref<2x320000xi32, #tpu.memory_space<hbm>> -> memref<2x128xi32, #tpu.memory_space<hbm>>
        %dma_wait3A_303 = arith.constant 0 : i32
        %dma_wait3A_304 = arith.constant 0 : i32
        %dma_wait3A_305 = tpu.memref_slice %arg3[%dma_wait3A_303, %dma_wait3A_304] : memref<2x320000xi32, #tpu.memory_space<hbm>> -> memref<2x128xi32, #tpu.memory_space<hbm>>
        tpu.wait_dma2 semaphore(%arg16 : memref<!tpu.dma_semaphore, #tpu.memory_space<semaphore_mem>>) src(%dma_wait3A_305 : memref<2x128xi32, #tpu.memory_space<hbm>>) dst(%arg7 : memref<2x128xi32, #tpu.memory_space<vmem>>)
        %dma_start3A_306 = arith.constant 0 : i32
        %dma_start3A_307 = arith.constant 0 : i32
        %dma_start3A_308 = arith.constant 0 : i32
        %dma_start3A_309 = tpu.memref_slice %arg10[%dma_start3A_307, %dma_start3A_308] : memref<128x128xf32, #tpu.memory_space<vmem>> -> memref<64x128xf32, #tpu.memory_space<vmem>>
        %dma_start3A_310 = arith.constant 0 : i32
        %dma_start3A_311 = tpu.memref_slice %arg7[%dma_start3A_306, %dma_start3A_310] : memref<2x128xi32, #tpu.memory_space<vmem>> -> memref<1x64xi32, #tpu.memory_space<vmem>>
        %dma_start3A_312 = tpu.memref_squeeze %dma_start3A_311 : memref<1x64xi32, #tpu.memory_space<vmem>> -> memref<64xi32, #tpu.memory_space<vmem>>
        %dma_start3A_313 = arith.constant 0 : i32
        %dma_start3A_314 = arith.constant 0 : i32
        %dma_start3A_315 = tpu.memref_slice %arg2[%dma_start3A_313, %dma_start3A_314] : memref<10000x128xf32, #tpu.memory_space<hbm>> -> memref<10000x128xf32, #tpu.memory_space<hbm>>
        tpu.enqueue_indirect_dma source(%dma_start3A_315 : memref<10000x128xf32, #tpu.memory_space<hbm>>) target(%dma_start3A_309 : memref<64x128xf32, #tpu.memory_space<vmem>>) offsets(%dma_start3A_312 : memref<64xi32, #tpu.memory_space<vmem>>) semaphore(%arg19 : memref<!tpu.dma_semaphore, #tpu.memory_space<semaphore_mem>>)
        %dma_start3A_316 = arith.constant 0 : i32
        %dma_start3A_317 = arith.constant 64 : i32
        %dma_start3A_318 = arith.constant 0 : i32
        %dma_start3A_319 = tpu.memref_slice %arg10[%dma_start3A_317, %dma_start3A_318] : memref<128x128xf32, #tpu.memory_space<vmem>> -> memref<64x128xf32, #tpu.memory_space<vmem>>
        %dma_start3A_320 = arith.constant 64 : i32
        %dma_start3A_321 = tpu.memref_slice %arg7[%dma_start3A_316, %dma_start3A_320] : memref<2x128xi32, #tpu.memory_space<vmem>> -> memref<1x64xi32, #tpu.memory_space<vmem>>
        %dma_start3A_322 = tpu.memref_squeeze %dma_start3A_321 : memref<1x64xi32, #tpu.memory_space<vmem>> -> memref<64xi32, #tpu.memory_space<vmem>>
        %dma_start3A_323 = arith.constant 0 : i32
        %dma_start3A_324 = arith.constant 0 : i32
        %dma_start3A_325 = tpu.memref_slice %arg2[%dma_start3A_323, %dma_start3A_324] : memref<10000x128xf32, #tpu.memory_space<hbm>> -> memref<10000x128xf32, #tpu.memory_space<hbm>>
        tpu.enqueue_indirect_dma source(%dma_start3A_325 : memref<10000x128xf32, #tpu.memory_space<hbm>>) target(%dma_start3A_319 : memref<64x128xf32, #tpu.memory_space<vmem>>) offsets(%dma_start3A_322 : memref<64xi32, #tpu.memory_space<vmem>>) semaphore(%arg22 : memref<!tpu.dma_semaphore, #tpu.memory_space<semaphore_mem>>)
      } else {
      }
      %add3A_196 = arith.constant 1 : i32
      %add3A_197 = arith.addi %add3A_148, %add3A_196 : i32
      %dma_wait3A_198 = arith.constant 0 : i32
      %dma_wait3A_199 = arith.constant 0 : i32
      %dma_wait3A_200 = arith.constant 0 : i32
      %dma_wait3A_201 = tpu.memref_slice %arg9[%dma_wait3A_199, %dma_wait3A_200] : memref<128x128xf32, #tpu.memory_space<vmem>> -> memref<64x128xf32, #tpu.memory_space<vmem>>
      %dma_wait3A_202 = arith.constant 0 : i32
      %dma_wait3A_203 = tpu.memref_slice %arg6[%dma_wait3A_198, %dma_wait3A_202] : memref<2x128xi32, #tpu.memory_space<vmem>> -> memref<1x64xi32, #tpu.memory_space<vmem>>
      %dma_wait3A_204 = tpu.memref_squeeze %dma_wait3A_203 : memref<1x64xi32, #tpu.memory_space<vmem>> -> memref<64xi32, #tpu.memory_space<vmem>>
      %dma_wait3A_205 = arith.constant 0 : i32
      %dma_wait3A_206 = arith.constant 0 : i32
      %dma_wait3A_207 = tpu.memref_slice %arg2[%dma_wait3A_205, %dma_wait3A_206] : memref<10000x128xf32, #tpu.memory_space<hbm>> -> memref<10000x128xf32, #tpu.memory_space<hbm>>
      tpu.wait_indirect_dma semaphore(%arg18 : memref<!tpu.dma_semaphore, #tpu.memory_space<semaphore_mem>>) src(%dma_wait3A_207 : memref<10000x128xf32, #tpu.memory_space<hbm>>) dst(%dma_wait3A_201 : memref<64x128xf32, #tpu.memory_space<vmem>>)
      %dma_wait3A_208 = arith.constant 0 : i32
      %dma_wait3A_209 = arith.constant 64 : i32
      %dma_wait3A_210 = arith.constant 0 : i32
      %dma_wait3A_211 = tpu.memref_slice %arg9[%dma_wait3A_209, %dma_wait3A_210] : memref<128x128xf32, #tpu.memory_space<vmem>> -> memref<64x128xf32, #tpu.memory_space<vmem>>
      %dma_wait3A_212 = arith.constant 64 : i32
      %dma_wait3A_213 = tpu.memref_slice %arg6[%dma_wait3A_208, %dma_wait3A_212] : memref<2x128xi32, #tpu.memory_space<vmem>> -> memref<1x64xi32, #tpu.memory_space<vmem>>
      %dma_wait3A_214 = tpu.memref_squeeze %dma_wait3A_213 : memref<1x64xi32, #tpu.memory_space<vmem>> -> memref<64xi32, #tpu.memory_space<vmem>>
      %dma_wait3A_215 = arith.constant 0 : i32
      %dma_wait3A_216 = arith.constant 0 : i32
      %dma_wait3A_217 = tpu.memref_slice %arg2[%dma_wait3A_215, %dma_wait3A_216] : memref<10000x128xf32, #tpu.memory_space<hbm>> -> memref<10000x128xf32, #tpu.memory_space<hbm>>
      tpu.wait_indirect_dma semaphore(%arg21 : memref<!tpu.dma_semaphore, #tpu.memory_space<semaphore_mem>>) src(%dma_wait3A_217 : memref<10000x128xf32, #tpu.memory_space<hbm>>) dst(%dma_wait3A_211 : memref<64x128xf32, #tpu.memory_space<vmem>>)
      %dma_start3A_218 = arith.constant 1 : i32
      %dma_start3A_219 = arith.constant 0 : i32
      %dma_start3A_220 = tpu.memref_slice %arg6[%dma_start3A_218, %dma_start3A_219] : memref<2x128xi32, #tpu.memory_space<vmem>> -> memref<1x128xi32, #tpu.memory_space<vmem>>
      %dma_start3A_221 = tpu.memref_squeeze %dma_start3A_220 : memref<1x128xi32, #tpu.memory_space<vmem>> -> memref<128xi32, #tpu.memory_space<vmem>>
      %dma_start3A_222 = arith.constant 0 : i32
      %dma_start3A_223 = arith.constant 0 : i32
      %dma_start3A_224 = tpu.memref_slice %arg13[%dma_start3A_222, %dma_start3A_223] : memref<10000x128xf32, #tpu.memory_space<vmem_shared>> -> memref<10000x128xf32, #tpu.memory_space<vmem_shared>>
      tpu.enqueue_indirect_dma source(%arg9 : memref<128x128xf32, #tpu.memory_space<vmem>>) target(%dma_start3A_224 : memref<10000x128xf32, #tpu.memory_space<vmem_shared>>) offsets(%dma_start3A_221 : memref<128xi32, #tpu.memory_space<vmem>>) semaphore(%arg24 : memref<!tpu.dma_semaphore, #tpu.memory_space<semaphore_mem>>) {add = true}
      %gt3A_225 = arith.constant 0 : i32
      %gt3A_226 = arith.cmpi sgt, %add3A_197, %gt3A_225 : i32
      %convert_element_type3A_227 = arith.extui %gt3A_226 : i1 to i32
      %cond3A_228 = arith.constant 0 : i32
      %cond3A_229 = arith.cmpi ne, %convert_element_type3A_227, %cond3A_228 : i32
      scf.if %cond3A_229 {
        %dma_wait3A_296 = arith.constant 1 : i32
        %dma_wait3A_297 = arith.constant 0 : i32
        %dma_wait3A_298 = tpu.memref_slice %arg5[%dma_wait3A_296, %dma_wait3A_297] : memref<2x128xi32, #tpu.memory_space<vmem>> -> memref<1x128xi32, #tpu.memory_space<vmem>>
        %dma_wait3A_299 = tpu.memref_squeeze %dma_wait3A_298 : memref<1x128xi32, #tpu.memory_space<vmem>> -> memref<128xi32, #tpu.memory_space<vmem>>
        %dma_wait3A_300 = arith.constant 0 : i32
        %dma_wait3A_301 = arith.constant 0 : i32
        %dma_wait3A_302 = tpu.memref_slice %arg13[%dma_wait3A_300, %dma_wait3A_301] : memref<10000x128xf32, #tpu.memory_space<vmem_shared>> -> memref<10000x128xf32, #tpu.memory_space<vmem_shared>>
        tpu.wait_indirect_dma semaphore(%arg23 : memref<!tpu.dma_semaphore, #tpu.memory_space<semaphore_mem>>) src(%arg8 : memref<128x128xf32, #tpu.memory_space<vmem>>) dst(%dma_wait3A_302 : memref<10000x128xf32, #tpu.memory_space<vmem_shared>>)
      } else {
      }
      %add3A_230 = arith.constant 3 : i32
      %add3A_231 = arith.addi %add3A_197, %add3A_230 : i32
      %lt3A_232 = arith.constant 78 : i32
      %lt3A_233 = arith.cmpi slt, %add3A_231, %lt3A_232 : i32
      %convert_element_type3A_234 = arith.extui %lt3A_233 : i1 to i32
      %cond3A_235 = arith.constant 0 : i32
      %cond3A_236 = arith.cmpi ne, %convert_element_type3A_234, %cond3A_235 : i32
      scf.if %cond3A_236 {
        %add3A_296 = arith.constant 3 : i32
        %add3A_297 = arith.addi %add3A_197, %add3A_296 : i32
        %mul3A_298 = arith.constant 128 : i32
        %mul3A_299 = arith.muli %add3A_297, %mul3A_298 : i32
        %add3A_300 = arith.addi %mul3A_4, %mul3A_299 : i32
        %dma_start3A_301 = arith.constant 0 : i32
        %dma_start3A_302 = tpu.memref_slice %arg3[%dma_start3A_301, %add3A_300] : memref<2x320000xi32, #tpu.memory_space<hbm>> -> memref<2x128xi32, #tpu.memory_space<hbm>>
        %dma_start3A_303 = arith.constant 0 : i32
        %dma_start3A_304 = tpu.memref_slice %arg3[%dma_start3A_303, %add3A_300] : memref<2x320000xi32, #tpu.memory_space<hbm>> -> memref<2x128xi32, #tpu.memory_space<hbm>>
        tpu.enqueue_dma source(%dma_start3A_304 : memref<2x128xi32, #tpu.memory_space<hbm>>) target(%arg6 : memref<2x128xi32, #tpu.memory_space<vmem>>) target_semaphore(%arg15 : memref<!tpu.dma_semaphore, #tpu.memory_space<semaphore_mem>>)
      } else {
      }
      %add3A_237 = arith.constant 3 : i32
      %add3A_238 = arith.addi %add3A_197, %add3A_237 : i32
      %sub3A_239 = arith.constant 1 : i32
      %sub3A_240 = arith.subi %add3A_238, %sub3A_239 : i32
      %lt3A_241 = arith.constant 78 : i32
      %lt3A_242 = arith.cmpi slt, %sub3A_240, %lt3A_241 : i32
      %convert_element_type3A_243 = arith.extui %lt3A_242 : i1 to i32
      %cond3A_244 = arith.constant 0 : i32
      %cond3A_245 = arith.cmpi ne, %convert_element_type3A_243, %cond3A_244 : i32
      scf.if %cond3A_245 {
        %add3A_296 = arith.constant 3 : i32
        %add3A_297 = arith.addi %add3A_197, %add3A_296 : i32
        %sub3A_298 = arith.constant 1 : i32
        %sub3A_299 = arith.subi %add3A_297, %sub3A_298 : i32
        %dma_wait3A_300 = arith.constant 0 : i32
        %dma_wait3A_301 = arith.constant 0 : i32
        %dma_wait3A_302 = tpu.memref_slice %arg3[%dma_wait3A_300, %dma_wait3A_301] : memref<2x320000xi32, #tpu.memory_space<hbm>> -> memref<2x128xi32, #tpu.memory_space<hbm>>
        %dma_wait3A_303 = arith.constant 0 : i32
        %dma_wait3A_304 = arith.constant 0 : i32
        %dma_wait3A_305 = tpu.memref_slice %arg3[%dma_wait3A_303, %dma_wait3A_304] : memref<2x320000xi32, #tpu.memory_space<hbm>> -> memref<2x128xi32, #tpu.memory_space<hbm>>
        tpu.wait_dma2 semaphore(%arg14 : memref<!tpu.dma_semaphore, #tpu.memory_space<semaphore_mem>>) src(%dma_wait3A_305 : memref<2x128xi32, #tpu.memory_space<hbm>>) dst(%arg5 : memref<2x128xi32, #tpu.memory_space<vmem>>)
        %dma_start3A_306 = arith.constant 0 : i32
        %dma_start3A_307 = arith.constant 0 : i32
        %dma_start3A_308 = arith.constant 0 : i32
        %dma_start3A_309 = tpu.memref_slice %arg8[%dma_start3A_307, %dma_start3A_308] : memref<128x128xf32, #tpu.memory_space<vmem>> -> memref<64x128xf32, #tpu.memory_space<vmem>>
        %dma_start3A_310 = arith.constant 0 : i32
        %dma_start3A_311 = tpu.memref_slice %arg5[%dma_start3A_306, %dma_start3A_310] : memref<2x128xi32, #tpu.memory_space<vmem>> -> memref<1x64xi32, #tpu.memory_space<vmem>>
        %dma_start3A_312 = tpu.memref_squeeze %dma_start3A_311 : memref<1x64xi32, #tpu.memory_space<vmem>> -> memref<64xi32, #tpu.memory_space<vmem>>
        %dma_start3A_313 = arith.constant 0 : i32
        %dma_start3A_314 = arith.constant 0 : i32
        %dma_start3A_315 = tpu.memref_slice %arg2[%dma_start3A_313, %dma_start3A_314] : memref<10000x128xf32, #tpu.memory_space<hbm>> -> memref<10000x128xf32, #tpu.memory_space<hbm>>
        tpu.enqueue_indirect_dma source(%dma_start3A_315 : memref<10000x128xf32, #tpu.memory_space<hbm>>) target(%dma_start3A_309 : memref<64x128xf32, #tpu.memory_space<vmem>>) offsets(%dma_start3A_312 : memref<64xi32, #tpu.memory_space<vmem>>) semaphore(%arg17 : memref<!tpu.dma_semaphore, #tpu.memory_space<semaphore_mem>>)
        %dma_start3A_316 = arith.constant 0 : i32
        %dma_start3A_317 = arith.constant 64 : i32
        %dma_start3A_318 = arith.constant 0 : i32
        %dma_start3A_319 = tpu.memref_slice %arg8[%dma_start3A_317, %dma_start3A_318] : memref<128x128xf32, #tpu.memory_space<vmem>> -> memref<64x128xf32, #tpu.memory_space<vmem>>
        %dma_start3A_320 = arith.constant 64 : i32
        %dma_start3A_321 = tpu.memref_slice %arg5[%dma_start3A_316, %dma_start3A_320] : memref<2x128xi32, #tpu.memory_space<vmem>> -> memref<1x64xi32, #tpu.memory_space<vmem>>
        %dma_start3A_322 = tpu.memref_squeeze %dma_start3A_321 : memref<1x64xi32, #tpu.memory_space<vmem>> -> memref<64xi32, #tpu.memory_space<vmem>>
        %dma_start3A_323 = arith.constant 0 : i32
        %dma_start3A_324 = arith.constant 0 : i32
        %dma_start3A_325 = tpu.memref_slice %arg2[%dma_start3A_323, %dma_start3A_324] : memref<10000x128xf32, #tpu.memory_space<hbm>> -> memref<10000x128xf32, #tpu.memory_space<hbm>>
        tpu.enqueue_indirect_dma source(%dma_start3A_325 : memref<10000x128xf32, #tpu.memory_space<hbm>>) target(%dma_start3A_319 : memref<64x128xf32, #tpu.memory_space<vmem>>) offsets(%dma_start3A_322 : memref<64xi32, #tpu.memory_space<vmem>>) semaphore(%arg20 : memref<!tpu.dma_semaphore, #tpu.memory_space<semaphore_mem>>)
      } else {
      }
      %add3A_246 = arith.constant 2 : i32
      %add3A_247 = arith.addi %add3A_148, %add3A_246 : i32
      %dma_wait3A_248 = arith.constant 0 : i32
      %dma_wait3A_249 = arith.constant 0 : i32
      %dma_wait3A_250 = arith.constant 0 : i32
      %dma_wait3A_251 = tpu.memref_slice %arg10[%dma_wait3A_249, %dma_wait3A_250] : memref<128x128xf32, #tpu.memory_space<vmem>> -> memref<64x128xf32, #tpu.memory_space<vmem>>
      %dma_wait3A_252 = arith.constant 0 : i32
      %dma_wait3A_253 = tpu.memref_slice %arg7[%dma_wait3A_248, %dma_wait3A_252] : memref<2x128xi32, #tpu.memory_space<vmem>> -> memref<1x64xi32, #tpu.memory_space<vmem>>
      %dma_wait3A_254 = tpu.memref_squeeze %dma_wait3A_253 : memref<1x64xi32, #tpu.memory_space<vmem>> -> memref<64xi32, #tpu.memory_space<vmem>>
      %dma_wait3A_255 = arith.constant 0 : i32
      %dma_wait3A_256 = arith.constant 0 : i32
      %dma_wait3A_257 = tpu.memref_slice %arg2[%dma_wait3A_255, %dma_wait3A_256] : memref<10000x128xf32, #tpu.memory_space<hbm>> -> memref<10000x128xf32, #tpu.memory_space<hbm>>
      tpu.wait_indirect_dma semaphore(%arg19 : memref<!tpu.dma_semaphore, #tpu.memory_space<semaphore_mem>>) src(%dma_wait3A_257 : memref<10000x128xf32, #tpu.memory_space<hbm>>) dst(%dma_wait3A_251 : memref<64x128xf32, #tpu.memory_space<vmem>>)
      %dma_wait3A_258 = arith.constant 0 : i32
      %dma_wait3A_259 = arith.constant 64 : i32
      %dma_wait3A_260 = arith.constant 0 : i32
      %dma_wait3A_261 = tpu.memref_slice %arg10[%dma_wait3A_259, %dma_wait3A_260] : memref<128x128xf32, #tpu.memory_space<vmem>> -> memref<64x128xf32, #tpu.memory_space<vmem>>
      %dma_wait3A_262 = arith.constant 64 : i32
      %dma_wait3A_263 = tpu.memref_slice %arg7[%dma_wait3A_258, %dma_wait3A_262] : memref<2x128xi32, #tpu.memory_space<vmem>> -> memref<1x64xi32, #tpu.memory_space<vmem>>
      %dma_wait3A_264 = tpu.memref_squeeze %dma_wait3A_263 : memref<1x64xi32, #tpu.memory_space<vmem>> -> memref<64xi32, #tpu.memory_space<vmem>>
      %dma_wait3A_265 = arith.constant 0 : i32
      %dma_wait3A_266 = arith.constant 0 : i32
      %dma_wait3A_267 = tpu.memref_slice %arg2[%dma_wait3A_265, %dma_wait3A_266] : memref<10000x128xf32, #tpu.memory_space<hbm>> -> memref<10000x128xf32, #tpu.memory_space<hbm>>
      tpu.wait_indirect_dma semaphore(%arg22 : memref<!tpu.dma_semaphore, #tpu.memory_space<semaphore_mem>>) src(%dma_wait3A_267 : memref<10000x128xf32, #tpu.memory_space<hbm>>) dst(%dma_wait3A_261 : memref<64x128xf32, #tpu.memory_space<vmem>>)
      %dma_start3A_268 = arith.constant 1 : i32
      %dma_start3A_269 = arith.constant 0 : i32
      %dma_start3A_270 = tpu.memref_slice %arg7[%dma_start3A_268, %dma_start3A_269] : memref<2x128xi32, #tpu.memory_space<vmem>> -> memref<1x128xi32, #tpu.memory_space<vmem>>
      %dma_start3A_271 = tpu.memref_squeeze %dma_start3A_270 : memref<1x128xi32, #tpu.memory_space<vmem>> -> memref<128xi32, #tpu.memory_space<vmem>>
      %dma_start3A_272 = arith.constant 0 : i32
      %dma_start3A_273 = arith.constant 0 : i32
      %dma_start3A_274 = tpu.memref_slice %arg13[%dma_start3A_272, %dma_start3A_273] : memref<10000x128xf32, #tpu.memory_space<vmem_shared>> -> memref<10000x128xf32, #tpu.memory_space<vmem_shared>>
      tpu.enqueue_indirect_dma source(%arg10 : memref<128x128xf32, #tpu.memory_space<vmem>>) target(%dma_start3A_274 : memref<10000x128xf32, #tpu.memory_space<vmem_shared>>) offsets(%dma_start3A_271 : memref<128xi32, #tpu.memory_space<vmem>>) semaphore(%arg25 : memref<!tpu.dma_semaphore, #tpu.memory_space<semaphore_mem>>) {add = true}
      %gt3A_275 = arith.constant 0 : i32
      %gt3A_276 = arith.cmpi sgt, %add3A_247, %gt3A_275 : i32
      %convert_element_type3A_277 = arith.extui %gt3A_276 : i1 to i32
      %cond3A_278 = arith.constant 0 : i32
      %cond3A_279 = arith.cmpi ne, %convert_element_type3A_277, %cond3A_278 : i32
      scf.if %cond3A_279 {
        %dma_wait3A_296 = arith.constant 1 : i32
        %dma_wait3A_297 = arith.constant 0 : i32
        %dma_wait3A_298 = tpu.memref_slice %arg6[%dma_wait3A_296, %dma_wait3A_297] : memref<2x128xi32, #tpu.memory_space<vmem>> -> memref<1x128xi32, #tpu.memory_space<vmem>>
        %dma_wait3A_299 = tpu.memref_squeeze %dma_wait3A_298 : memref<1x128xi32, #tpu.memory_space<vmem>> -> memref<128xi32, #tpu.memory_space<vmem>>
        %dma_wait3A_300 = arith.constant 0 : i32
        %dma_wait3A_301 = arith.constant 0 : i32
        %dma_wait3A_302 = tpu.memref_slice %arg13[%dma_wait3A_300, %dma_wait3A_301] : memref<10000x128xf32, #tpu.memory_space<vmem_shared>> -> memref<10000x128xf32, #tpu.memory_space<vmem_shared>>
        tpu.wait_indirect_dma semaphore(%arg24 : memref<!tpu.dma_semaphore, #tpu.memory_space<semaphore_mem>>) src(%arg9 : memref<128x128xf32, #tpu.memory_space<vmem>>) dst(%dma_wait3A_302 : memref<10000x128xf32, #tpu.memory_space<vmem_shared>>)
      } else {
      }
      %add3A_280 = arith.constant 3 : i32
      %add3A_281 = arith.addi %add3A_247, %add3A_280 : i32
      %lt3A_282 = arith.constant 78 : i32
      %lt3A_283 = arith.cmpi slt, %add3A_281, %lt3A_282 : i32
      %convert_element_type3A_284 = arith.extui %lt3A_283 : i1 to i32
      %cond3A_285 = arith.constant 0 : i32
      %cond3A_286 = arith.cmpi ne, %convert_element_type3A_284, %cond3A_285 : i32
      scf.if %cond3A_286 {
        %add3A_296 = arith.constant 3 : i32
        %add3A_297 = arith.addi %add3A_247, %add3A_296 : i32
        %mul3A_298 = arith.constant 128 : i32
        %mul3A_299 = arith.muli %add3A_297, %mul3A_298 : i32
        %add3A_300 = arith.addi %mul3A_4, %mul3A_299 : i32
        %dma_start3A_301 = arith.constant 0 : i32
        %dma_start3A_302 = tpu.memref_slice %arg3[%dma_start3A_301, %add3A_300] : memref<2x320000xi32, #tpu.memory_space<hbm>> -> memref<2x128xi32, #tpu.memory_space<hbm>>
        %dma_start3A_303 = arith.constant 0 : i32
        %dma_start3A_304 = tpu.memref_slice %arg3[%dma_start3A_303, %add3A_300] : memref<2x320000xi32, #tpu.memory_space<hbm>> -> memref<2x128xi32, #tpu.memory_space<hbm>>
        tpu.enqueue_dma source(%dma_start3A_304 : memref<2x128xi32, #tpu.memory_space<hbm>>) target(%arg7 : memref<2x128xi32, #tpu.memory_space<vmem>>) target_semaphore(%arg16 : memref<!tpu.dma_semaphore, #tpu.memory_space<semaphore_mem>>)
      } else {
      }
      %add3A_287 = arith.constant 3 : i32
      %add3A_288 = arith.addi %add3A_247, %add3A_287 : i32
      %sub3A_289 = arith.constant 1 : i32
      %sub3A_290 = arith.subi %add3A_288, %sub3A_289 : i32
      %lt3A_291 = arith.constant 78 : i32
      %lt3A_292 = arith.cmpi slt, %sub3A_290, %lt3A_291 : i32
      %convert_element_type3A_293 = arith.extui %lt3A_292 : i1 to i32
      %cond3A_294 = arith.constant 0 : i32
      %cond3A_295 = arith.cmpi ne, %convert_element_type3A_293, %cond3A_294 : i32
      scf.if %cond3A_295 {
        %add3A_296 = arith.constant 3 : i32
        %add3A_297 = arith.addi %add3A_247, %add3A_296 : i32
        %sub3A_298 = arith.constant 1 : i32
        %sub3A_299 = arith.subi %add3A_297, %sub3A_298 : i32
        %dma_wait3A_300 = arith.constant 0 : i32
        %dma_wait3A_301 = arith.constant 0 : i32
        %dma_wait3A_302 = tpu.memref_slice %arg3[%dma_wait3A_300, %dma_wait3A_301] : memref<2x320000xi32, #tpu.memory_space<hbm>> -> memref<2x128xi32, #tpu.memory_space<hbm>>
        %dma_wait3A_303 = arith.constant 0 : i32
        %dma_wait3A_304 = arith.constant 0 : i32
        %dma_wait3A_305 = tpu.memref_slice %arg3[%dma_wait3A_303, %dma_wait3A_304] : memref<2x320000xi32, #tpu.memory_space<hbm>> -> memref<2x128xi32, #tpu.memory_space<hbm>>
        tpu.wait_dma2 semaphore(%arg15 : memref<!tpu.dma_semaphore, #tpu.memory_space<semaphore_mem>>) src(%dma_wait3A_305 : memref<2x128xi32, #tpu.memory_space<hbm>>) dst(%arg6 : memref<2x128xi32, #tpu.memory_space<vmem>>)
        %dma_start3A_306 = arith.constant 0 : i32
        %dma_start3A_307 = arith.constant 0 : i32
        %dma_start3A_308 = arith.constant 0 : i32
        %dma_start3A_309 = tpu.memref_slice %arg9[%dma_start3A_307, %dma_start3A_308] : memref<128x128xf32, #tpu.memory_space<vmem>> -> memref<64x128xf32, #tpu.memory_space<vmem>>
        %dma_start3A_310 = arith.constant 0 : i32
        %dma_start3A_311 = tpu.memref_slice %arg6[%dma_start3A_306, %dma_start3A_310] : memref<2x128xi32, #tpu.memory_space<vmem>> -> memref<1x64xi32, #tpu.memory_space<vmem>>
        %dma_start3A_312 = tpu.memref_squeeze %dma_start3A_311 : memref<1x64xi32, #tpu.memory_space<vmem>> -> memref<64xi32, #tpu.memory_space<vmem>>
        %dma_start3A_313 = arith.constant 0 : i32
        %dma_start3A_314 = arith.constant 0 : i32
        %dma_start3A_315 = tpu.memref_slice %arg2[%dma_start3A_313, %dma_start3A_314] : memref<10000x128xf32, #tpu.memory_space<hbm>> -> memref<10000x128xf32, #tpu.memory_space<hbm>>
        tpu.enqueue_indirect_dma source(%dma_start3A_315 : memref<10000x128xf32, #tpu.memory_space<hbm>>) target(%dma_start3A_309 : memref<64x128xf32, #tpu.memory_space<vmem>>) offsets(%dma_start3A_312 : memref<64xi32, #tpu.memory_space<vmem>>) semaphore(%arg18 : memref<!tpu.dma_semaphore, #tpu.memory_space<semaphore_mem>>)
        %dma_start3A_316 = arith.constant 0 : i32
        %dma_start3A_317 = arith.constant 64 : i32
        %dma_start3A_318 = arith.constant 0 : i32
        %dma_start3A_319 = tpu.memref_slice %arg9[%dma_start3A_317, %dma_start3A_318] : memref<128x128xf32, #tpu.memory_space<vmem>> -> memref<64x128xf32, #tpu.memory_space<vmem>>
        %dma_start3A_320 = arith.constant 64 : i32
        %dma_start3A_321 = tpu.memref_slice %arg6[%dma_start3A_316, %dma_start3A_320] : memref<2x128xi32, #tpu.memory_space<vmem>> -> memref<1x64xi32, #tpu.memory_space<vmem>>
        %dma_start3A_322 = tpu.memref_squeeze %dma_start3A_321 : memref<1x64xi32, #tpu.memory_space<vmem>> -> memref<64xi32, #tpu.memory_space<vmem>>
        %dma_start3A_323 = arith.constant 0 : i32
        %dma_start3A_324 = arith.constant 0 : i32
        %dma_start3A_325 = tpu.memref_slice %arg2[%dma_start3A_323, %dma_start3A_324] : memref<10000x128xf32, #tpu.memory_space<hbm>> -> memref<10000x128xf32, #tpu.memory_space<hbm>>
        tpu.enqueue_indirect_dma source(%dma_start3A_325 : memref<10000x128xf32, #tpu.memory_space<hbm>>) target(%dma_start3A_319 : memref<64x128xf32, #tpu.memory_space<vmem>>) offsets(%dma_start3A_322 : memref<64xi32, #tpu.memory_space<vmem>>) semaphore(%arg21 : memref<!tpu.dma_semaphore, #tpu.memory_space<semaphore_mem>>)
      } else {
      }
    }
    %scan3A_92 = arith.constant 26 : i32
    %dma_wait3A_93 = arith.constant 0 : i32
    %dma_wait3A_94 = arith.constant 0 : i32
    %dma_wait3A_95 = tpu.memref_slice %arg3[%dma_wait3A_93, %dma_wait3A_94] : memref<2x320000xi32, #tpu.memory_space<hbm>> -> memref<2x512xi32, #tpu.memory_space<hbm>>
    %dma_wait3A_96 = arith.constant 0 : i32
    %dma_wait3A_97 = arith.constant 0 : i32
    %dma_wait3A_98 = tpu.memref_slice %arg3[%dma_wait3A_96, %dma_wait3A_97] : memref<2x320000xi32, #tpu.memory_space<hbm>> -> memref<2x512xi32, #tpu.memory_space<hbm>>
    tpu.wait_dma2 semaphore(%arg26 : memref<!tpu.dma_semaphore, #tpu.memory_space<semaphore_mem>>) src(%dma_wait3A_98 : memref<2x512xi32, #tpu.memory_space<hbm>>) dst(%arg11 : memref<2x512xi32, #tpu.memory_space<vmem>>)
    %mul3A_99 = arith.constant 16 : i32
    %mul3A_100 = arith.muli %add3A, %mul3A_99 : i32
    %get3A = arith.constant 1 : i32
    %get3A_101 = arith.index_cast %get3A : i32 to index
    %get3A_102 = arith.index_cast %mul3A_100 : i32 to index
    %get3A_103 = tpu.vector_load %arg11[%get3A_101, %get3A_102] {strides = array<i32>} : memref<2x512xi32, #tpu.memory_space<vmem>>, vector<1x16xi32>,
    %get3A_104 = vector.shape_cast %get3A_103 : vector<1x16xi32> to vector<16xi32>
    %swap3A = arith.constant 0 : index
    %swap3A_105 = tpu.vector_load %arg12[%swap3A] {strides = array<i32>} : memref<16xi32, #tpu.memory_space<vmem>>, vector<16xi32>,
    %swap3A_106 = vector.shape_cast %swap3A_105 : vector<16xi32> to vector<16xi32>
    %swap3A_107 = vector.shape_cast %get3A_104 : vector<16xi32> to vector<16xi32>
    tpu.vector_store %arg12[%swap3A], %swap3A_107 {strides = array<i32>} : memref<16xi32, #tpu.memory_space<vmem>>, vector<16xi32>,
    %mul3A_108 = arith.constant 16 : i32
    %mul3A_109 = arith.muli %add3A, %mul3A_108 : i32
    %dma_start3A_110 = arith.constant 0 : i32
    %dma_start3A_111 = arith.constant 0 : i32
    %dma_start3A_112 = arith.constant 0 : i32
    %dma_start3A_113 = tpu.memref_slice %arg8[%dma_start3A_111, %dma_start3A_112] : memref<128x128xf32, #tpu.memory_space<vmem>> -> memref<16x128xf32, #tpu.memory_space<vmem>>
    %dma_start3A_114 = tpu.memref_slice %arg11[%dma_start3A_110, %mul3A_109] : memref<2x512xi32, #tpu.memory_space<vmem>> -> memref<1x16xi32, #tpu.memory_space<vmem>>
    %dma_start3A_115 = tpu.memref_squeeze %dma_start3A_114 : memref<1x16xi32, #tpu.memory_space<vmem>> -> memref<16xi32, #tpu.memory_space<vmem>>
    %dma_start3A_116 = arith.constant 0 : i32
    %dma_start3A_117 = arith.constant 0 : i32
    %dma_start3A_118 = tpu.memref_slice %arg2[%dma_start3A_116, %dma_start3A_117] : memref<10000x128xf32, #tpu.memory_space<hbm>> -> memref<10000x128xf32, #tpu.memory_space<hbm>>
    tpu.enqueue_indirect_dma source(%dma_start3A_118 : memref<10000x128xf32, #tpu.memory_space<hbm>>) target(%dma_start3A_113 : memref<16x128xf32, #tpu.memory_space<vmem>>) offsets(%dma_start3A_115 : memref<16xi32, #tpu.memory_space<vmem>>) semaphore(%arg17 : memref<!tpu.dma_semaphore, #tpu.memory_space<semaphore_mem>>)
    %dma_wait3A_119 = arith.constant 1 : i32
    %dma_wait3A_120 = arith.constant 0 : i32
    %dma_wait3A_121 = tpu.memref_slice %arg7[%dma_wait3A_119, %dma_wait3A_120] : memref<2x128xi32, #tpu.memory_space<vmem>> -> memref<1x128xi32, #tpu.memory_space<vmem>>
    %dma_wait3A_122 = tpu.memref_squeeze %dma_wait3A_121 : memref<1x128xi32, #tpu.memory_space<vmem>> -> memref<128xi32, #tpu.memory_space<vmem>>
    %dma_wait3A_123 = arith.constant 0 : i32
    %dma_wait3A_124 = arith.constant 0 : i32
    %dma_wait3A_125 = tpu.memref_slice %arg13[%dma_wait3A_123, %dma_wait3A_124] : memref<10000x128xf32, #tpu.memory_space<vmem_shared>> -> memref<10000x128xf32, #tpu.memory_space<vmem_shared>>
    tpu.wait_indirect_dma semaphore(%arg25 : memref<!tpu.dma_semaphore, #tpu.memory_space<semaphore_mem>>) src(%arg10 : memref<128x128xf32, #tpu.memory_space<vmem>>) dst(%dma_wait3A_125 : memref<10000x128xf32, #tpu.memory_space<vmem_shared>>)
    %mul3A_126 = arith.constant 16 : i32
    %mul3A_127 = arith.muli %add3A, %mul3A_126 : i32
    %dma_wait3A_128 = arith.constant 0 : i32
    %dma_wait3A_129 = arith.constant 0 : i32
    %dma_wait3A_130 = arith.constant 0 : i32
    %dma_wait3A_131 = tpu.memref_slice %arg8[%dma_wait3A_129, %dma_wait3A_130] : memref<128x128xf32, #tpu.memory_space<vmem>> -> memref<16x128xf32, #tpu.memory_space<vmem>>
    %dma_wait3A_132 = tpu.memref_slice %arg11[%dma_wait3A_128, %mul3A_127] : memref<2x512xi32, #tpu.memory_space<vmem>> -> memref<1x16xi32, #tpu.memory_space<vmem>>
    %dma_wait3A_133 = tpu.memref_squeeze %dma_wait3A_132 : memref<1x16xi32, #tpu.memory_space<vmem>> -> memref<16xi32, #tpu.memory_space<vmem>>
    %dma_wait3A_134 = arith.constant 0 : i32
    %dma_wait3A_135 = arith.constant 0 : i32
    %dma_wait3A_136 = tpu.memref_slice %arg2[%dma_wait3A_134, %dma_wait3A_135] : memref<10000x128xf32, #tpu.memory_space<hbm>> -> memref<10000x128xf32, #tpu.memory_space<hbm>>
    tpu.wait_indirect_dma semaphore(%arg17 : memref<!tpu.dma_semaphore, #tpu.memory_space<semaphore_mem>>) src(%dma_wait3A_136 : memref<10000x128xf32, #tpu.memory_space<hbm>>) dst(%dma_wait3A_131 : memref<16x128xf32, #tpu.memory_space<vmem>>)
    "tpu.region"() ({
      %run_scoped3A = tpu.sem_alloc : memref<!tpu.dma_semaphore, #tpu.memory_space<semaphore_mem>>
      %dma_start3A_144 = arith.constant 0 : i32
      %dma_start3A_145 = arith.constant 0 : i32
      %dma_start3A_146 = tpu.memref_slice %arg8[%dma_start3A_144, %dma_start3A_145] : memref<128x128xf32, #tpu.memory_space<vmem>> -> memref<16x128xf32, #tpu.memory_space<vmem>>
      %dma_start3A_147 = arith.constant 0 : i32
      %dma_start3A_148 = arith.constant 0 : i32
      %dma_start3A_149 = tpu.memref_slice %arg13[%dma_start3A_147, %dma_start3A_148] : memref<10000x128xf32, #tpu.memory_space<vmem_shared>> -> memref<10000x128xf32, #tpu.memory_space<vmem_shared>>
      tpu.enqueue_indirect_dma source(%dma_start3A_146 : memref<16x128xf32, #tpu.memory_space<vmem>>) target(%dma_start3A_149 : memref<10000x128xf32, #tpu.memory_space<vmem_shared>>) offsets(%arg12 : memref<16xi32, #tpu.memory_space<vmem>>) semaphore(%run_scoped3A : memref<!tpu.dma_semaphore, #tpu.memory_space<semaphore_mem>>) {add = true}
      %dma_wait3A_150 = arith.constant 0 : i32
      %dma_wait3A_151 = arith.constant 0 : i32
      %dma_wait3A_152 = tpu.memref_slice %arg8[%dma_wait3A_150, %dma_wait3A_151] : memref<128x128xf32, #tpu.memory_space<vmem>> -> memref<16x128xf32, #tpu.memory_space<vmem>>
      %dma_wait3A_153 = arith.constant 0 : i32
      %dma_wait3A_154 = arith.constant 0 : i32
      %dma_wait3A_155 = tpu.memref_slice %arg13[%dma_wait3A_153, %dma_wait3A_154] : memref<10000x128xf32, #tpu.memory_space<vmem_shared>> -> memref<10000x128xf32, #tpu.memory_space<vmem_shared>>
      tpu.wait_indirect_dma semaphore(%run_scoped3A : memref<!tpu.dma_semaphore, #tpu.memory_space<semaphore_mem>>) src(%dma_wait3A_152 : memref<16x128xf32, #tpu.memory_space<vmem>>) dst(%dma_wait3A_155 : memref<10000x128xf32, #tpu.memory_space<vmem_shared>>)
      tpu.yield
    }) : () -> ()
    %barrier3A_137 = arith.constant 0 : index
    tpu.barrier barrier_id(%barrier3A_137)
    %mul3A_138 = arith.constant 624 : i32
    %mul3A_139 = arith.muli %arg1, %mul3A_138 : i32
    %mul3A_140 = arith.constant 624 : i32
    %mul3A_141 = arith.muli %arg1, %mul3A_140 : i32
    "tpu.region"() ({
      %run_scoped3A = tpu.sem_alloc : memref<!tpu.dma_semaphore, #tpu.memory_space<semaphore_mem>>
      %dma_start3A_144 = arith.constant 0 : i32
      %dma_start3A_145 = tpu.memref_slice %arg4[%arg0, %mul3A_141, %dma_start3A_144] : memref<2x10000x128xf32, #tpu.memory_space<hbm>> -> memref<1x624x128xf32, #tpu.memory_space<hbm>>
      %dma_start3A_146 = tpu.memref_squeeze %dma_start3A_145 : memref<1x624x128xf32, #tpu.memory_space<hbm>> -> memref<624x128xf32, #tpu.memory_space<hbm>>
      %dma_start3A_147 = arith.constant 0 : i32
      %dma_start3A_148 = tpu.memref_slice %arg13[%mul3A_139, %dma_start3A_147] : memref<10000x128xf32, #tpu.memory_space<vmem_shared>> -> memref<624x128xf32, #tpu.memory_space<vmem_shared>>
      tpu.enqueue_dma source(%dma_start3A_148 : memref<624x128xf32, #tpu.memory_space<vmem_shared>>) target(%dma_start3A_146 : memref<624x128xf32, #tpu.memory_space<hbm>>) target_semaphore(%run_scoped3A : memref<!tpu.dma_semaphore, #tpu.memory_space<semaphore_mem>>)
      %dma_wait3A_149 = arith.constant 0 : i32
      %dma_wait3A_150 = tpu.memref_slice %arg4[%arg0, %mul3A_141, %dma_wait3A_149] : memref<2x10000x128xf32, #tpu.memory_space<hbm>> -> memref<1x624x128xf32, #tpu.memory_space<hbm>>
      %dma_wait3A_151 = tpu.memref_squeeze %dma_wait3A_150 : memref<1x624x128xf32, #tpu.memory_space<hbm>> -> memref<624x128xf32, #tpu.memory_space<hbm>>
      %dma_wait3A_152 = arith.constant 0 : i32
      %dma_wait3A_153 = tpu.memref_slice %arg13[%mul3A_139, %dma_wait3A_152] : memref<10000x128xf32, #tpu.memory_space<vmem_shared>> -> memref<624x128xf32, #tpu.memory_space<vmem_shared>>
      tpu.wait_dma2 semaphore(%run_scoped3A : memref<!tpu.dma_semaphore, #tpu.memory_space<semaphore_mem>>) src(%dma_wait3A_153 : memref<624x128xf32, #tpu.memory_space<vmem_shared>>) dst(%dma_wait3A_151 : memref<624x128xf32, #tpu.memory_space<hbm>>)
      tpu.yield
    }) : () -> ()
    %eq3A = arith.constant 15 : i32
    %eq3A_142 = arith.cmpi eq, %arg1, %eq3A : i32
    %convert_element_type3A = arith.extui %eq3A_142 : i1 to i32
    %cond3A = arith.constant 0 : i32
    %cond3A_143 = arith.cmpi ne, %convert_element_type3A, %cond3A : i32
    scf.if %cond3A_143 {
      "tpu.region"() ({
        %run_scoped3A = tpu.sem_alloc : memref<!tpu.dma_semaphore, #tpu.memory_space<semaphore_mem>>
        %dma_start3A_144 = arith.constant 9984 : i32
        %dma_start3A_145 = arith.constant 0 : i32
        %dma_start3A_146 = tpu.memref_slice %arg4[%arg0, %dma_start3A_144, %dma_start3A_145] : memref<2x10000x128xf32, #tpu.memory_space<hbm>> -> memref<1x16x128xf32, #tpu.memory_space<hbm>>
        %dma_start3A_147 = tpu.memref_squeeze %dma_start3A_146 : memref<1x16x128xf32, #tpu.memory_space<hbm>> -> memref<16x128xf32, #tpu.memory_space<hbm>>
        %dma_start3A_148 = arith.constant 9984 : i32
        %dma_start3A_149 = arith.constant 0 : i32
        %dma_start3A_150 = tpu.memref_slice %arg13[%dma_start3A_148, %dma_start3A_149] : memref<10000x128xf32, #tpu.memory_space<vmem_shared>> -> memref<16x128xf32, #tpu.memory_space<vmem_shared>>
        tpu.enqueue_dma source(%dma_start3A_150 : memref<16x128xf32, #tpu.memory_space<vmem_shared>>) target(%dma_start3A_147 : memref<16x128xf32, #tpu.memory_space<hbm>>) target_semaphore(%run_scoped3A : memref<!tpu.dma_semaphore, #tpu.memory_space<semaphore_mem>>)
        %dma_wait3A_151 = arith.constant 9984 : i32
        %dma_wait3A_152 = arith.constant 0 : i32
        %dma_wait3A_153 = tpu.memref_slice %arg4[%arg0, %dma_wait3A_151, %dma_wait3A_152] : memref<2x10000x128xf32, #tpu.memory_space<hbm>> -> memref<1x16x128xf32, #tpu.memory_space<hbm>>
        %dma_wait3A_154 = tpu.memref_squeeze %dma_wait3A_153 : memref<1x16x128xf32, #tpu.memory_space<hbm>> -> memref<16x128xf32, #tpu.memory_space<hbm>>
        %dma_wait3A_155 = arith.constant 9984 : i32
        %dma_wait3A_156 = arith.constant 0 : i32
        %dma_wait3A_157 = tpu.memref_slice %arg13[%dma_wait3A_155, %dma_wait3A_156] : memref<10000x128xf32, #tpu.memory_space<vmem_shared>> -> memref<16x128xf32, #tpu.memory_space<vmem_shared>>
        tpu.wait_dma2 semaphore(%run_scoped3A : memref<!tpu.dma_semaphore, #tpu.memory_space<semaphore_mem>>) src(%dma_wait3A_157 : memref<16x128xf32, #tpu.memory_space<vmem_shared>>) dst(%dma_wait3A_154 : memref<16x128xf32, #tpu.memory_space<hbm>>)
        tpu.yield
      }) : () -> ()
    } else {
    }
    return
  }
}

module attributes {stable_mosaic.version = 14 : i64} {
  func.func @body(%arg0: i32, %arg1: memref<1x5000x128xf32, #tpu.memory_space<vmem>>, %arg2: memref<1x5000x128xf32, #tpu.memory_space<vmem>>, %arg3: memref<5000x128xf32, #tpu.memory_space<vmem>>) attributes {dimension_semantics = [#tpu.dimension_semantics<arbitrary>], iteration_bounds = array<i64: 2>, scalar_prefetch = 0 : i64, scratch_operands = 0 : i64, tpu.core_type = #tpu.core_type<tc>, window_params = [{transform_indices = @transform_0, window_bounds = array<i64: 1, 5000, 128>}, {transform_indices = @transform_1, window_bounds = array<i64: 1, 5000, 128>}, {transform_indices = @transform_2, window_bounds = array<i64: 5000, 128>}]} {
    %get3A = arith.constant 0 : index
    %get3A_0 = arith.constant 0 : index
    %get3A_1 = arith.constant 0 : index
    %get3A_2 = vector.load %arg1[%get3A, %get3A_0, %get3A_1] : memref<1x5000x128xf32, #tpu.memory_space<vmem>>, vector<1x5000x128xf32>
    %get3A_3 = vector.shape_cast %get3A_2 : vector<1x5000x128xf32> to vector<5000x128xf32>
    %get3A_4 = arith.constant 0 : index
    %get3A_5 = arith.constant 0 : index
    %get3A_6 = arith.constant 0 : index
    %get3A_7 = vector.load %arg2[%get3A_4, %get3A_5, %get3A_6] : memref<1x5000x128xf32, #tpu.memory_space<vmem>>, vector<1x5000x128xf32>
    %get3A_8 = vector.shape_cast %get3A_7 : vector<1x5000x128xf32> to vector<5000x128xf32>
    %add3A = arith.addf %get3A_3, %get3A_8 : vector<5000x128xf32>
    %swap3A = arith.constant 0 : index
    %swap3A_9 = arith.constant 0 : index
    %swap3A_10 = vector.load %arg3[%swap3A, %swap3A_9] : memref<5000x128xf32, #tpu.memory_space<vmem>>, vector<5000x128xf32>
    tpu.vector_store %arg3[%swap3A, %swap3A_9], %add3A {strides = array<i32>} : memref<5000x128xf32, #tpu.memory_space<vmem>>, vector<5000x128xf32>,
    return
  }
  func.func @transform_0(%arg0: i32) -> (i32, i32, i32) {
    %c0_i32 = arith.constant 0 : i32
    %c0_i32_0 = arith.constant 0 : i32
    %c0_i32_1 = arith.constant 0 : i32
    return %c0_i32, %arg0, %c0_i32_0 : i32, i32, i32
  }
  func.func @transform_1(%arg0: i32) -> (i32, i32, i32) {
    %c1_i32 = arith.constant 1 : i32
    %c0_i32 = arith.constant 0 : i32
    %c0_i32_0 = arith.constant 0 : i32
    return %c1_i32, %arg0, %c0_i32 : i32, i32, i32
  }
  func.func @transform_2(%arg0: i32) -> (i32, i32) {
    %c0_i32 = arith.constant 0 : i32
    %c0_i32_0 = arith.constant 0 : i32
    return %arg0, %c0_i32 : i32, i32
  }
}

</mosaic_0001>

<sc_bundles>
// kernel: kernel.4.cloned.1.call-start
scs
__scs_entry_jumppad:
0x0: {  	(pc) =	sbr.rel $0x88, $3  }
0x1: {  	(tag) =	ssettag $0x0;
	lr =	simm.s32 $0x1  }
0x2: {  	[smem:$0x3F9F] =	sst lr;
	_ =	strace $0xD0000000  }
0x3: {  	_ = 	snop  }
0x4: {  	_ = 	snop  }
0x5: {  	_ = 	snop  }
0x6: {  	_ = 	snop  }
0x7: {  	_ = 	snop  }
__scs_overlays_trampoline_lowered:
0x8: {  	[smem:$0x3FAE] =	sst s0  }
0x9: {  	[smem:$0x3FAF] =	sst s1  }
0xa: {  	[smem:$0x3FB0] =	sst s2  }
0xb: {  	[smem:$0x3FB1] =	sst s3  }
0xc: {  	[smem:$0x3FB2] =	sst s4  }
0xd: {  	[smem:$0x3FB3] =	sst s5  }
0xe: {  	[smem:$0x3FB4] =	sst s6  }
0xf: {  	[smem:$0x3FB5] =	sst s7  }
0x10: {  	[smem:$0x3FB6] =	sst s8  }
0x11: {  	[smem:$0x3FB7] =	sst s9;
	s0 =	simm.s32 @!p0 $0x0  }
0x12: {  	s1 =	sld [smem:$0x3F9D];
	s0 =	simm.s32 @p0 $0x1  }
0x13: {  	[smem:$0x3FB8] =	sst s0;
	s0 =	simm.s32 @!p1 $0x0  }
0x14: {  	s2 =	sld [smem:$0x3F9C];
	s0 =	simm.s32 @p1 $0x1  }
0x15: {  	[smem:$0x3FB9] =	sst s0;
	s0 =	simm.s32 @!p2 $0x0  }
0x16: {  	s3 =	sld [smem:$0x3FDB];
	s0 =	simm.s32 @p2 $0x1  }
0x17: {  	s4 =	simm.s32 $0x1BF5;
	[smem:$0x3FBB] =	sst s0  }
0x18: {  	s0 =	sld [smem:$0x3F9E];
	_ =	swait.ge [sflag:s4], $0x0  }
0x19: {  	s7 =	sld [smem:$0x3F9F]  }
0x1a: {  	s8 =	sadd.s32 $0xFFFFE003, lr  }
0x1b: {  	s9 =	sadd.s32 $0xFFFFFEF7, lr;
	s5 =	simm.s32 $0xFFFFFFFF;
	p2 =	slt.u32 s8, $0xFFFFF086  }
0x1c: {  	p1 =	slt.u32 s9, $0xF7A;
	s5 =	simm.s32 @!p2 $0x0  }
0x1d: {  	s5 =	simm.s32 @p1 $0x1;
	p0 =	seq.s32 s7, s2  }
0x1e: {  	s7 =	smul.u32 @!p0 $0xF7A, s2;
	p2 =	seq.s32 @!p0 s5, $0x0  }
0x1f: {  	s9 =	smul.u32 $0xF7A, s1;
	s8 =	simm.s32 @!p0 $0x1BF5;
	p2 =	por !p2, p0  }
0x20: {  	[sflag:s8] =	ssyncset.s32 @!p0 $0xFFFFF086;
	s6 =	sadd.s32 @!p0 s3, s7;
	s7 =	simm.s32 @!p0 $0x108  }
0x21: {  	s3 =	sadd.s32 s3, s9;
	s6 =	sadd.s32 @!p0 $0x88, s6;
	s7 =	simm.s32 @p2 $0x1082  }
0x22: {  	[simem:s7], [sflag:s8] =	dma.local @!p0 [hbm:s6], $0xF7A  }
0x23: {  	s9 =	sor.u32 $0xD0000000, s2;
	s6 =	simm.s32 $0x108;
	_ =	swait.ge @!p0 [sflag:s8], $0x0  }
0x24: {  	s3 =	sadd.s32 $0x88, s3;
	s6 =	simm.s32 @!p1 $0x1082;
	[sflag:s4] =	ssyncset.s32 $0xFFFFF086  }
0x25: {  	[simem:s6], [sflag:s4] =	dma.local [hbm:s3], $0xF7A  }
0x26: {  	[smem:$0x3F9F] =	sst s1;
	(tag) =	ssettag s2;
	_ =	strace s9  }
0x27: {  	s1 =	sld [smem:$0x3FAF]  }
0x28: {  	s2 =	sld [smem:$0x3FB0]  }
0x29: {  	s4 =	sld [smem:$0x3FB2]  }
0x2a: {  	p0 =	seq.s32 s5, $0x0;
	s5 =	sld [smem:$0x3FB3]  }
0x2b: {  	s6 =	sld [smem:$0x3FB4]  }
0x2c: {  	s7 =	sld [smem:$0x3FB5]  }
0x2d: {  	s3 =	simm.s32 $0x108;
	s8 =	sld [smem:$0x3FB6]  }
0x2e: {  	s3 =	simm.s32 @!p0 $0x1082;
	s9 =	sld [smem:$0x3FB7]  }
0x2f: {  	lr =	sadd.s32 s0, s3;
	s0 =	sld [smem:$0x3FAE]  }
0x30: {  	s3 =	sld [smem:$0x3FB1]  }
0x31: {  	[smem:$0x3FBA] =	sst s10  }
0x32: {  	s10 =	sld [smem:$0x3FB8];
	_ =	sdelay $0x3  }
0x33: {  	p0 =	seq.s32 s10, $0x1;
	s10 =	sld [smem:$0x3FBA];
	_ =	sdelay $0x3  }
0x34: {  	[smem:$0x3FBA] =	sst s10  }
0x35: {  	s10 =	sld [smem:$0x3FB9];
	_ =	sdelay $0x3  }
0x36: {  	p1 =	seq.s32 s10, $0x1;
	s10 =	sld [smem:$0x3FBA];
	_ =	sdelay $0x3  }
0x37: {  	[smem:$0x3FBA] =	sst s10  }
0x38: {  	s10 =	sld [smem:$0x3FBB]  }
0x39: {  	_ = 	snop;
	(pc) =	sbr.ind lr, $3  }
0x3a: {  	_ = 	snop  }
0x3b: {  	_ = 	snop  }
0x3c: {  	p2 =	seq.s32 s10, $0x1;
	s10 =	sld [smem:$0x3FBA]  }
0x3d: {  	_ =	shalt  }
0x3e: {  	_ =	shalt  }
0x3f: {  	_ =	shalt  }
0x40: {  	_ =	shalt  }
0x41: {  	_ =	shalt  }
0x42: {  	_ =	shalt  }
0x43: {  	_ =	shalt  }
0x44: {  	_ =	shalt  }
0x45: {  	_ =	shalt  }
0x46: {  	_ =	shalt  }
0x47: {  	_ =	shalt  }
0x48: {  	_ =	shalt  }
0x49: {  	_ =	shalt  }
0x4a: {  	_ =	shalt  }
0x4b: {  	_ =	shalt  }
0x4c: {  	_ =	shalt  }
0x4d: {  	_ =	shalt  }
0x4e: {  	_ =	shalt  }
0x4f: {  	_ =	shalt  }
0x50: {  	_ =	shalt  }
0x51: {  	_ =	shalt  }
0x52: {  	_ =	shalt  }
0x53: {  	_ =	shalt  }
0x54: {  	_ =	shalt  }
0x55: {  	_ =	shalt  }
0x56: {  	_ =	shalt  }
0x57: {  	_ =	shalt  }
0x58: {  	_ =	shalt  }
0x59: {  	_ =	shalt  }
0x5a: {  	_ =	shalt  }
0x5b: {  	_ =	shalt  }
0x5c: {  	_ =	shalt  }
0x5d: {  	_ =	shalt  }
0x5e: {  	_ =	shalt  }
0x5f: {  	_ =	shalt  }
0x60: {  	_ =	shalt  }
0x61: {  	_ =	shalt  }
0x62: {  	_ =	shalt  }
0x63: {  	_ =	shalt  }
0x64: {  	_ =	shalt  }
0x65: {  	_ =	shalt  }
0x66: {  	_ =	shalt  }
0x67: {  	_ =	shalt  }
0x68: {  	_ =	shalt  }
0x69: {  	_ =	shalt  }
0x6a: {  	_ =	shalt  }
0x6b: {  	_ =	shalt  }
0x6c: {  	_ =	shalt  }
0x6d: {  	_ =	shalt  }
0x6e: {  	_ =	shalt  }
0x6f: {  	_ =	shalt  }
0x70: {  	_ =	shalt  }
0x71: {  	_ =	shalt  }
0x72: {  	_ =	shalt  }
0x73: {  	_ =	shalt  }
0x74: {  	_ =	shalt  }
0x75: {  	_ =	shalt  }
0x76: {  	_ =	shalt  }
0x77: {  	_ =	shalt  }
0x78: {  	_ =	shalt  }
0x79: {  	_ =	shalt  }
0x7a: {  	_ =	shalt  }
0x7b: {  	_ =	shalt  }
0x7c: {  	_ =	shalt  }
0x7d: {  	_ =	shalt  }
0x7e: {  	_ =	shalt  }
0x7f: {  	_ =	shalt  }
0x80: {  	_ =	shalt  }
0x81: {  	_ =	shalt  }
0x82: {  	_ =	shalt  }
0x83: {  	_ =	shalt  }
0x84: {  	_ =	shalt  }
0x85: {  	_ =	shalt  }
0x86: {  	_ =	shalt  }
0x87: {  	_ =	shalt  }
.Lfunc_end0:
.L_simem_size_0:
called_computation_lowered:
.L_overlay_start_0:
0x88: {  	s2 =	sld [smem:$0x3FD9]  }
0x89: {  	s3 =	sld [smem:$0x3FFE];
	_ =	sdelay $0x1  }
0x8a: {  	s1 =	srdreg.scid  }
0x8b: {  	s0 =	sand.u32 $0x1, s1  }
0x8c: {  	s17 =	sshll.u32 s0, $0xA;
	s2 =	sadd.s32 s3, s2  }
0x8d: {  	s2 =	sadd.s32 s2, s17  }
0x8e: {  	[smem:$0x3FC6] =	sst s2  }
0x8f: {  	_ = 	snop  }
0x90: {  	s2 =	sld [smem:$0x3FC9]  }
0x91: {  	s18 =	sld [smem:$0x3FC8];
	(tm) =	ssettm $0x1  }
0x92: {  	s4 =	sld [smem:$0x3FFB];
	_ =	sdelay $0x3  }
0x93: {  	_ =	strace s4  }
0x94: {  	s4 =	sld [smem:$0x3FFC];
	_ =	sdelay $0x3  }
0x95: {  	_ =	strace s4  }
0x96: {  	s4 =	sld [smem:$0x3FFD];
	_ =	sdelay $0x3  }
0x97: {  	_ =	strace s4  }
0x98: {  	_ =	strace $0x8FFFFFFF  }
0x99: {  	s19 =	sld [smem:$0x3FDB];
	_ =	sdelay $0x1  }
0x9a: {  	s5 =	simm.s32 $_scs_section_size  }
0x9b: {  	s6 =	simm.s32 $_size__tile_overlayer_lowered;
	s7 =	simm.s32 $_tile_overlayer_lowered  }
0x9c: {  	s22 =	simm.s32 $0x1BFF;
	s21 =	sshll.u32 s7, $0x1;
	s4 =	sadd.s32 s5, s19  }
0x9d: {  	s8 =	simm.s32 $0x0;
	s20 =	sshll.u32 s6, $0x1;
	s6 =	sadd.s32 s21, s4  }
0x9e: {  	[timem:s8], [sflag:s22] =	dma.local [hbm:s6], s20  }
0x9f: {  	_ =	swait.ge [sflag:s22], s20  }
0xa0: {  	s5 =	ssub.s32 $0x0, s20;
	[sflag:s22] =	ssyncset.done $0x0  }
0xa1: {  	[sflag:s22] =	ssyncadd.s32 s5;
	_ =	sdelay $0x1  }
0xa2: {  	s23 =	simm.s32 $0x1B8B  }
0xa3: {  	_ =	swait.ge [sflag:s23], $0x1  }
0xa4: {  	[sflag:s23] =	ssyncset.done $0x0  }
0xa5: {  	s25 =	simm.s32 $0x1B8E;
	s24 =	sld [smem:$0x3FFE];
	[sflag:s23] =	ssyncadd.s32 $0xFFFFFFFF  }
0xa6: {  	s26 =	simm.s32 $execute0_lowered;
	[smem:$0x3FD2] =	sst s25  }
0xa7: {  	s6 =	sshll.u32 s26, $0x1;
	_ =	strace $0x80000046;
	[dreg:$0x1] =	wrdreg $0xFFFFFFFF  }
0xa8: {  	s28 =	simm.s32 $_size_execute0_lowered;
	s4 =	sadd.s32 s4, s6;
	[dreg:$0x0] =	wrdreg $0x0  }
0xa9: {  	s6 =	sshll.u32 s28, $0x1;
	[dreg:$0x2] =	wrdreg s4  }
0xaa: {  	[dreg:$0x3] =	wrdreg s6  }
0xab: {  	[dreg:$0x4] =	wrdreg $0xC0  }
0xac: {  	_ =	task [dreg:s8], $0x5FFFF  }
0xad: {  	[dreg:$0x1] =	wrdreg $0xFFFFFFFF  }
0xae: {  	[dreg:$0x0] =	wrdreg $0x60  }
0xaf: {  	[dreg:$0x2] =	wrdreg s2  }
0xb0: {  	[dreg:$0x3] =	wrdreg s18  }
0xb1: {  	[dreg:$0x4] =	wrdreg s24  }
0xb2: {  	[dreg:$0x5] =	wrdreg $0xC7800  }
0xb3: {  	[dreg:$0x6] =	wrdreg $0x9  }
0xb4: {  	_ =	task.clear_ibuf [dreg:s8], $0x7FFFF;
	_ =	strace $0x90000046  }
0xb5: {  	s29 =	simm.s32 $0x9;
	_ =	strace $0x80000048  }
0xb6: {  	_ =	swait.ge [sflag:s29], $0x1  }
0xb7: {  	[sflag:s29] =	ssyncadd.s32 $0xFFFFFFFF  }
0xb8: {  	_ =	strace $0x90000048  }
0xb9: {  	_ =	sfence  }
0xba: {  	s30 =	sld [smem:$0x0];
	_ =	sdelay $0x2  }
0xbb: {  	s31 =	sshll.u32 s1, $0xD;
	s1 =	sshrl.u32 s1, $0x2  }
0xbc: {  	s3 =	sand.u32 $0x4000, s31;
	s1 =	sadd.s32 s1, s30  }
0xbd: {  	s0 =	sor.u32 s3, s0;
	s1 =	sshll.u32 s1, $0x11  }
0xbe: {  	s0 =	sor.u32 s1, s0  }
0xbf: {  	s0 =	sadd.s32 $0x8F2B, s0  }
0xc0: {  	[sflag:s0] =	ssyncadd.remote.s32 $0x1  }
0xc1: {  	_ =	sfence.sel $0xFFFF  }
0xc2: {  	[dreg:$0x0] =	wrdreg $0xFFFFFFFF;
	(pc) =	sbr.abs _section_cstart, $3  }
0xc3: {  	[dreg:$0x1] =	wrdreg $0xFFFFFFFF  }
0xc4: {  	_ =	task.clear_ibuf [dreg:s8], $0x2FFFF;
	_ =	strace $0x9FFFFFFF  }
0xc5: {  	(tm) =	ssettm $0x7FFFFFFF  }
tec
execute0_lowered:
.L_overlay_start_1:
0x0: {  	(tag) =	ssettag $0x1  }
0x1: {  	s0 =	rddreg [dreg:$0x0]  }
0x2: {  	s1 =	rddreg [dreg:$0x1]  }
0x3: {  	s5 =	rddreg [dreg:$0x2]  }
0x4: {  	s2 =	srdreg.scid;
	s3 =	rddreg [dreg:$0x3]  }
0x5: {  	s13 =	stileid.u32;
	s4 =	simm.s32 $0x0;
	s29 =	simm.s32 $0x4300  }
0x6: {  	s30 =	simm.s32 $0x4;
	s31 =	simm.s32 $0x7;
	s2 =	sand.u32 $0x1, s2  }
0x7: {  	[smem:$0x7FF] =	sst s4;
	s5 =	sadd.s32 $0x600, s5;
	s28 =	smul.u32 $0x4E000, s13  }
0x8: {  	s14 =	sadd.s32 $0x13800, s1;
	s17 =	sshll.u32 s13, $0x4;
	s21 =	smul.u32 $0x4E, s13  }
0x9: {  	p0 =	sne.s32 s13, $0xF;
	s6 =	sshll.u32 s2, $0x4;
	_ =	strace $0x80000047  }
0xa: {  	s8 =	ssub.s32 $0x2, s2;
	[dreg:$0x8] =	wrdreg s14;
	s16 =	smul.u32 $0x138800, s2  }
0xb: {  	s18 =	sand.u32 $0x70, s17;
	s2 =	smul.u32 $0x4E0, s2;
	s6 =	sor.u32 s13, s6  }
0xc: {  	s10 =	sshrl.u32 s8, $0x1;
	s15 =	sshrl.u32 s28, $0x2;
	s7 =	smul.u32 $0x4E00, s6  }
0xd: {  	s9 =	smul.u32 $0x9C0, s6;
	s8 =	ssub.s32 s8, s10;
	s6 =	sshll.u32 s6, $0x5  }
0xe: {  	s20 =	sshrl.u32 s16, $0x3;
	s2 =	sadd.s32 s21, s2;
	s21 =	simm.s32 $0x200  }
0xf: {  	s6 =	sand.u32 $0x300, s6;
	s23 =	smax.u32 s8, $0x1;
	s2 =	sshll.u32 s2, $0x5  }
0x10: {  	s8 =	simm.s32 $0xA300;
	s7 =	sshrl.u32 s7, $0x3;
	s11 =	sadd.s32 s1, s9  }
0x11: {  	s9 =	sadd.s32 s15, s3;
	s6 =	sor.u32 s18, s6;
	[dreg:$0xc] =	wrdreg s23  }
0x12: {  	s23 =	simm.s32 $0x40;
	[dreg:$0x5] =	wrdreg s11;
	s12 =	sadd.s32 $0x20, s11  }
0x13: {  	s7 =	sadd.s32 s1, s7;
	s6 =	sadd.s32 $0xC300, s6;
	[dreg:$0x6] =	wrdreg s12  }
0x14: {  	s24 =	sadd.s32 $0x4000, s9;
	s25 =	sadd.s32 $0x8000, s9;
	[dreg:$0x9] =	wrdreg s6  }
0x15: {  	s26 =	sadd.s32 $0xC000, s9;
	s1 =	sadd.s32 s2, s1;
	[dreg:$0xd] =	wrdreg s24  }
0x16: {  	s28 =	sadd.s32 $0x10000, s9;
	s2 =	simm.s32 $0x8300;
	[dreg:$0xe] =	wrdreg s25  }
0x17: {  	s11 =	simm.s32 $0x8;
	s12 =	smul.u32 $0x13800, s13;
	[dreg:$0xf] =	wrdreg s26  }
0x18: {  	s7 =	sadd.s32 $0x40, s7;
	[dreg:$0x10] =	wrdreg s28;
	s18 =	sadd.s32 $0x80, s1  }
0x19: {  	s24 =	simm.s32 $0x300;
	s26 =	simm.s32 $0xE;
	s19 =	sadd.s32 s12, s16  }
0x1a: {  	s6 =	simm.s32 $0x3;
	[dreg:$0x7] =	wrdreg s7;
	s7 =	sshrl.u32 s19, $0x3  }
0x1b: {  	s13 =	simm.s32 $0xA;
	s22 =	sadd.s32 s5, s7;
	s5 =	sadd.s32 s5, s20  }
0x1c: {  	s12 =	simm.s32 $0x180;
	s19 =	sadd.s32 $0x60, s1;
	s5 =	sadd.s32 $0x27000, s5  }
0x1d: {  	s7 =	simm.s32 $0x240;
	[dreg:$0xb] =	wrdreg s5;
	s5 =	sadd.s32 $0x138000, s3  }
0x1e: {  	s20 =	simm.s32 $0x0;
	[dreg:$0xa] =	wrdreg s22;
	s1 =	sshrl.u32 @!p0 s5, $0x3  }
0x1f: {  	v0 =	vimm.f32 $0.0e+00;
	s5 =	simm.s32 $0x5;
	[dreg:$0x11] =	wrdreg s1;
	s1 =	simm.s32 $0x80  }
.LBB2_1:
0x20: {  	s10 =	rddreg [dreg:$0x5]  }
0x21: {  	[tilespmem:s4], [sflag:$0x1] =	stream.linear.gather [hbm4b:s10+s4], $0x100, $0x38;
	v63 =	vld [tilespmem:$0x0]  }
0x22: {  	s22 =	rddreg [dreg:$0x6];
	s14 =	simm.s32 $0x100  }
0x23: {  	[tilespmem:s14], [sflag:$0x2] =	stream.linear.gather [hbm4b:s22+s4], $0x100, $0x38;
	v63 =	vld [tilespmem:$0x0]  }
0x24: {  	s25 =	rddreg [dreg:$0x7];
	s28 =	simm.s32 $0x1  }
0x25: {  	[tilespmem:s21], [sflag:$0x3] =	stream.linear.gather [hbm4b:s25+s4], $0x100, $0x38;
	v63 =	vld [tilespmem:$0x0]  }
0x26: {  	_ =	swait.ge [sflag:s28], $0x100  }
0x27: {  	[sflag:s28] =	ssyncset.done $0x0  }
0x28: {  	[sflag:s28] =	ssyncadd.s32 $0xFFFFFF00  }
0x29: {  	[tilespmem:s24], [sflag:$0x4] =	stream.indirect.gather [hbm4b:s0+s23], $0x80, s4, s23, $0xb8;
	v63 =	vld [tilespmem:$0x0]  }
0x2a: {  	s15 =	simm.s32 $0x2300;
	s16 =	simm.s32 $0x2  }
0x2b: {  	[tilespmem:s15], [sflag:$0x7] =	stream.indirect.gather [hbm4b:s0+s23], $0x80, s23, s23, $0xb8;
	v63 =	vld [tilespmem:$0x0]  }
0x2c: {  	_ =	swait.ge [sflag:s16], $0x100  }
0x2d: {  	[sflag:s16] =	ssyncset.done $0x0  }
0x2e: {  	[sflag:s16] =	ssyncadd.s32 $0xFFFFFF00  }
0x2f: {  	[tilespmem:s29], [sflag:$0x5] =	stream.indirect.gather [hbm4b:s0+s23], $0x80, s14, s23, $0xb8;
	v63 =	vld [tilespmem:$0x0]  }
0x30: {  	s17 =	simm.s32 $0x140;
	s22 =	simm.s32 $0x6300  }
0x31: {  	[tilespmem:s22], [sflag:$0x8] =	stream.indirect.gather [hbm4b:s0+s23], $0x80, s17, s23, $0xb8;
	v63 =	vld [tilespmem:$0x0]  }
0x32: {  	s28 =	simm.s32 $0xC300;
	s25 =	rddreg [dreg:$0x8]  }
0x33: {  	[tilespmem:s28], [sflag:$0xD] =	stream.linear.gather [hbm4b:s25+s4], $0x400, $0x38;
	v63 =	vld [tilespmem:$0x0]  }
0x34: {  	s17 =	simm.s32 $0x0;
	s25 =	simm.s32 $0x200  }
.LBB2_2:
0x35: {  	p1 =	seq.s32 s25, $0xFE00;
	[tilespmem:s17+$0x8370] =	vst v0  }
0x36: {  	[tilespmem:s17+$0x8300] =	vst v0  }
0x37: {  	[tilespmem:s17+$0x8310] =	vst v0  }
.Ltmp0:
0x38: {  	[tilespmem:s17+$0x8320] =	vst v0;
	(pc) =	sbr.rel @!p1 .LBB2_2-.Ltmp0, $4  }
0x39: {  	[tilespmem:s17+$0x8330] =	vst v0  }
0x3a: {  	[tilespmem:s17+$0x8340] =	vst v0  }
0x3b: {  	[tilespmem:s17+$0x8350] =	vst v0  }
0x3c: {  	[tilespmem:s17+$0x8360] =	vst v0;
	s17 =	sshra.s32 s25, $0x2;
	s25 =	sadd.s32 $0x200, s25  }
0x3d: {  	[tilespmem:s17+$0x8370] =	vst v0  }
0x3e: {  	[tilespmem:s17+$0x8300] =	vst v0  }
0x3f: {  	[tilespmem:s17+$0x8310] =	vst v0  }
0x40: {  	[tilespmem:s17+$0x8320] =	vst v0  }
0x41: {  	[tilespmem:s17+$0x8330] =	vst v0  }
0x42: {  	[tilespmem:s17+$0x8340] =	vst v0  }
0x43: {  	[tilespmem:s17+$0x8350] =	vst v0  }
0x44: {  	[tilespmem:s17+$0x8360] =	vst v0  }
0x45: {  	[spmem:s9] =	stream.linear.scatter [tilespmem:s2], [sflag:$0xE], $0x4000, $0x38;
	v63 =	vld [tilespmem:$0x0]  }
0x46: {  	_ =	swait.ge [sflag:s26], $0x4000  }
0x47: {  	[sflag:s26] =	ssyncset.done $0x0  }
0x48: {  	s10 =	rddreg [dreg:$0xd];
	[sflag:s26] =	ssyncadd.s32 $0xFFFFC000  }
0x49: {  	[spmem:s10] =	stream.linear.scatter [tilespmem:s2], [sflag:$0xE], $0x4000, $0x38;
	v63 =	vld [tilespmem:$0x0]  }
0x4a: {  	_ =	swait.ge [sflag:s26], $0x4000  }
0x4b: {  	[sflag:s26] =	ssyncset.done $0x0  }
0x4c: {  	s22 =	rddreg [dreg:$0xe];
	[sflag:s26] =	ssyncadd.s32 $0xFFFFC000  }
0x4d: {  	[spmem:s22] =	stream.linear.scatter [tilespmem:s2], [sflag:$0xE], $0x4000, $0x38;
	v63 =	vld [tilespmem:$0x0]  }
0x4e: {  	_ =	swait.ge [sflag:s26], $0x4000  }
0x4f: {  	[sflag:s26] =	ssyncset.done $0x0  }
0x50: {  	s25 =	rddreg [dreg:$0xf];
	[sflag:s26] =	ssyncadd.s32 $0xFFFFC000  }
0x51: {  	[spmem:s25] =	stream.linear.scatter [tilespmem:s2], [sflag:$0xE], $0x4000, $0x38;
	v63 =	vld [tilespmem:$0x0]  }
0x52: {  	_ =	swait.ge [sflag:s26], $0x4000  }
0x53: {  	[sflag:s26] =	ssyncset.done $0x0  }
0x54: {  	s28 =	rddreg [dreg:$0x10];
	[sflag:s26] =	ssyncadd.s32 $0xFFFFC000  }
0x55: {  	[spmem:s28] =	stream.linear.scatter [tilespmem:s2], [sflag:$0xE], $0x4000, $0x38;
	v63 =	vld [tilespmem:$0x0]  }
0x56: {  	_ =	swait.ge [sflag:s26], $0x4000  }
0x57: {  	[sflag:s26] =	ssyncset.done $0x0  }
0x58: {  	[sflag:s26] =	ssyncadd.s32 $0xFFFFC000  }
0x59: {  	s17 =	simm.s32 $0x0;
	[bflag:$0x0] =	sbarrier.arrive $0xFFFF  }
.LBB2_4:
0x5a: {  	_ =	swait.ge [sflag:s30], $0x2000  }
0x5b: {  	[sflag:s30] =	ssyncset.done $0x0  }
0x5c: {  	[sflag:s30] =	ssyncadd.s32 $0xFFFFE000  }
0x5d: {  	_ =	swait.ge [sflag:s31], $0x2000  }
0x5e: {  	p1 =	seq.s32 s17, $0x0;
	[sflag:s31] =	ssyncset.done $0x0  }
0x5f: {  	s25 =	simm.s32 @!p1 $0xC;
	[sflag:s31] =	ssyncadd.s32 $0xFFFFE000  }
0x60: {  	[spmem:s3] =	stream.indirect.scatter.add.f32 [tilespmem:s24], [sflag:$0xA], $0x80, s1, s1, $0xb8;
	v63 =	vld [tilespmem:$0x0]  }
0x61: {  	p2 =	seq.s32 @!p1 s17, $0x960;
	_ =	swait.ge @!p1 [sflag:s25], $0x4000  }
0x62: {  	p2 =	por p1, !p2;
	[sflag:s25] =	ssyncset.done @!p1 $0x0  }
0x63: {  	[sflag:s25] =	ssyncadd.s32 @!p1 $0xFFFFC000;
	s25 =	sadd.s32 @p2 s17, s19  }
0x64: {  	[tilespmem:s4], [sflag:$0x1] =	stream.linear.gather @p2 [hbm4b:s25+s4], $0x100, $0x38;
	v63 =	vld [tilespmem:$0x0]  }
0x65: {  	_ =	swait.ge [sflag:s6], $0x100  }
0x66: {  	[sflag:s6] =	ssyncset.done $0x0  }
0x67: {  	[sflag:s6] =	ssyncadd.s32 $0xFFFFFF00  }
0x68: {  	[tilespmem:s2], [sflag:$0x6] =	stream.indirect.gather [hbm4b:s0+s23], $0x80, s21, s23, $0xb8;
	v63 =	vld [tilespmem:$0x0]  }
0x69: {  	_ = 	snop  }
0x6a: {  	[tilespmem:s8], [sflag:$0x9] =	stream.indirect.gather [hbm4b:s0+s23], $0x80, s7, s23, $0xb8;
	v63 =	vld [tilespmem:$0x0]  }
0x6b: {  	_ =	swait.ge [sflag:s5], $0x2000  }
0x6c: {  	[sflag:s5] =	ssyncset.done $0x0  }
0x6d: {  	[sflag:s5] =	ssyncadd.s32 $0xFFFFE000  }
0x6e: {  	_ =	swait.ge [sflag:s11], $0x2000  }
0x6f: {  	[sflag:s11] =	ssyncset.done $0x0  }
0x70: {  	[sflag:s11] =	ssyncadd.s32 $0xFFFFE000  }
0x71: {  	[spmem:s3] =	stream.indirect.scatter.add.f32 [tilespmem:s29], [sflag:$0xB], $0x80, s12, s1, $0xb8;
	v63 =	vld [tilespmem:$0x0]  }
0x72: {  	p1 =	por @!p1 $0x1, $0x1;
	_ =	swait.ge [sflag:s13], $0x4000  }
0x73: {  	p1 =	por @p2 $0x0, $0x0;
	[sflag:s13] =	ssyncset.done $0x0  }
0x74: {  	s25 =	simm.s32 @p1 $0x6;
	[sflag:s13] =	ssyncadd.s32 $0xFFFFC000  }
0x75: {  	_ =	swait.ge @p1 [sflag:s25], $0x2000  }
0x76: {  	[sflag:s25] =	ssyncset.done @p1 $0x0  }
0x77: {  	[sflag:s25] =	ssyncadd.s32 @p1 $0xFFFFE000;
	s25 =	simm.s32 @p1 $0x9  }
0x78: {  	_ =	swait.ge @p1 [sflag:s25], $0x2000  }
0x79: {  	s15 =	simm.s32 @p1 $0x280;
	[sflag:s25] =	ssyncset.done @p1 $0x0  }
0x7a: {  	s22 =	simm.s32 @p1 $0x8300;
	[sflag:s25] =	ssyncadd.s32 @p1 $0xFFFFE000;
	s25 =	simm.s32 @p1 $0x80  }
0x7b: {  	[spmem:s3] =	stream.indirect.scatter.add.f32 @p1 [tilespmem:s22], [sflag:$0xC], $0x80, s15, s25, $0xb8;
	v63 =	vld [tilespmem:$0x0]  }
0x7c: {  	s15 =	simm.s32 @p1 $0xB  }
0x7d: {  	_ =	swait.ge @p1 [sflag:s15], $0x4000  }
0x7e: {  	s28 =	simm.s32 @!p1 $0x1;
	s22 =	simm.s32 @!p1 $0x0;
	[sflag:s15] =	ssyncset.done @p1 $0x0  }
0x7f: {  	s25 =	simm.s32 @!p1 $0x100;
	[sflag:s15] =	ssyncadd.s32 @p1 $0xFFFFC000;
	s15 =	sadd.s32 @!p1 s17, s18  }
0x80: {  	[tilespmem:s25], [sflag:$0x2] =	stream.linear.gather @!p1 [hbm4b:s15+s22], $0x100, $0x38;
	v63 =	vld [tilespmem:$0x0]  }
0x81: {  	_ =	swait.ge @!p1 [sflag:s28], $0x100  }
0x82: {  	[sflag:s28] =	ssyncset.done @!p1 $0x0  }
0x83: {  	s14 =	simm.s32 @!p1 $0x300;
	[sflag:s28] =	ssyncadd.s32 @!p1 $0xFFFFFF00;
	s28 =	simm.s32 @!p1 $0x40  }
0x84: {  	[tilespmem:s14], [sflag:$0x4] =	stream.indirect.gather @!p1 [hbm4b:s0+s28], $0x80, s22, s28, $0xb8;
	v63 =	vld [tilespmem:$0x0]  }
0x85: {  	s14 =	simm.s32 @!p1 $0x2300  }
0x86: {  	[tilespmem:s14], [sflag:$0x7] =	stream.indirect.gather @!p1 [hbm4b:s0+s28], $0x80, s28, s28, $0xb8;
	v63 =	vld [tilespmem:$0x0]  }
0x87: {  	s14 =	simm.s32 @!p1 $0x6  }
0x88: {  	_ =	swait.ge @!p1 [sflag:s14], $0x2000  }
0x89: {  	[sflag:s14] =	ssyncset.done @!p1 $0x0  }
0x8a: {  	[sflag:s14] =	ssyncadd.s32 @!p1 $0xFFFFE000;
	s14 =	simm.s32 @!p1 $0x9  }
0x8b: {  	_ =	swait.ge @!p1 [sflag:s14], $0x2000  }
0x8c: {  	s16 =	simm.s32 @!p1 $0x280;
	[sflag:s14] =	ssyncset.done @!p1 $0x0  }
0x8d: {  	s10 =	simm.s32 @!p1 $0x8300;
	[sflag:s14] =	ssyncadd.s32 @!p1 $0xFFFFE000;
	s14 =	simm.s32 @!p1 $0x80  }
0x8e: {  	[spmem:s3] =	stream.indirect.scatter.add.f32 @!p1 [tilespmem:s10], [sflag:$0xC], $0x80, s16, s14, $0xb8;
	v63 =	vld [tilespmem:$0x0]  }
0x8f: {  	s10 =	simm.s32 @!p1 $0xB  }
0x90: {  	_ =	swait.ge @!p1 [sflag:s10], $0x4000  }
0x91: {  	[sflag:s10] =	ssyncset.done @!p1 $0x0  }
0x92: {  	s14 =	simm.s32 @!p1 $0x200;
	[sflag:s10] =	ssyncadd.s32 @!p1 $0xFFFFC000;
	s10 =	sadd.s32 @!p1 $0x20, s15  }
0x93: {  	[tilespmem:s14], [sflag:$0x3] =	stream.linear.gather @!p1 [hbm4b:s10+s22], $0x100, $0x38;
	v63 =	vld [tilespmem:$0x0]  }
0x94: {  	s10 =	simm.s32 @!p1 $0x2  }
0x95: {  	_ =	swait.ge @!p1 [sflag:s10], $0x100  }
0x96: {  	[sflag:s10] =	ssyncset.done @!p1 $0x0  }
0x97: {  	[sflag:s10] =	ssyncadd.s32 @!p1 $0xFFFFFF00;
	s10 =	simm.s32 @!p1 $0x4300  }
0x98: {  	[tilespmem:s10], [sflag:$0x5] =	stream.indirect.gather @!p1 [hbm4b:s0+s28], $0x80, s25, s28, $0xb8;
	v63 =	vld [tilespmem:$0x0]  }
0x99: {  	s17 =	sadd.s32 $0x60, s17;
	s14 =	simm.s32 @!p1 $0x6300;
	s10 =	simm.s32 @!p1 $0x140  }
0x9a: {  	[tilespmem:s14], [sflag:$0x8] =	stream.indirect.gather @!p1 [hbm4b:s0+s28], $0x80, s10, s28, $0xb8;
	v63 =	vld [tilespmem:$0x0]  }
0x9b: {  	p1 =	sne.s32 s17, $0x9C0  }
.Ltmp1:
0x9c: {  	_ = 	snop;
	(pc) =	sbr.rel @p1 .LBB2_4-.Ltmp1, $1  }
0x9d: {  	_ =	sdelay $0x3  }
0x9e: {  	s10 =	simm.s32 $0xD  }
0x9f: {  	_ =	swait.ge [sflag:s10], $0x400  }
0xa0: {  	[sflag:s10] =	ssyncset.done $0x0  }
0xa1: {  	s15 =	rddreg [dreg:$0x9];
	[sflag:s10] =	ssyncadd.s32 $0xFFFFFC00  }
0xa2: {  	v1 =	vld [tilespmem:s15+$0x80];
	_ =	sdelay $0x4  }
0xa3: {  	s14 =	simm.s32 $0x10;
	s16 =	simm.s32 $0xC;
	[tilespmem:$0xC700] =	vst v1  }
0xa4: {  	[tilespmem:s24], [sflag:$0x4] =	stream.indirect.gather [hbm4b:s0+s14], $0x80, s15, s14, $0xb8;
	v63 =	vld [tilespmem:$0x0]  }
0xa5: {  	_ =	swait.ge [sflag:s16], $0x4000  }
0xa6: {  	[sflag:s16] =	ssyncset.done $0x0  }
0xa7: {  	[sflag:s16] =	ssyncadd.s32 $0xFFFFC000  }
0xa8: {  	_ =	swait.ge [sflag:s30], $0x800  }
0xa9: {  	[sflag:s30] =	ssyncset.done $0x0  }
0xaa: {  	s17 =	simm.s32 $0xC700;
	[sflag:s30] =	ssyncadd.s32 $0xFFFFF800  }
0xab: {  	[spmem:s3] =	stream.indirect.scatter.add.f32 [tilespmem:s24], [sflag:$0xE], $0x80, s17, s14, $0xb8;
	v63 =	vld [tilespmem:$0x0]  }
0xac: {  	_ =	swait.ge [sflag:s26], $0x800  }
0xad: {  	[sflag:s26] =	ssyncset.done $0x0  }
0xae: {  	s22 =	stileid.u32;
	[sflag:s26] =	ssyncadd.s32 $0xFFFFF800  }
0xaf: {  	s10 =	sshll.u32 s22, $0x6;
	[bflag:$0x0] =	sbarrier.arrive $0xFFFF  }
0xb0: {  	s25 =	sshrl.u32 s9, $0x3;
	s10 =	sor.u32 $0x1C0E, s10;
	s15 =	rddreg [dreg:$0xa]  }
0xb1: {  	[hbm:s15], [sflag:s10] =	dma.local [spmem:s25], $0x2700  }
0xb2: {  	_ =	swait.ge [sflag:s26], $0x2700  }
0xb3: {  	[sflag:s26] =	ssyncset.done $0x0;
	s14 =	rddreg [dreg:$0xb]  }
0xb4: {  	s15 =	rddreg [dreg:$0x11];
	[sflag:s26] =	ssyncadd.s32 $0xFFFFD900  }
0xb5: {  	[hbm:s14], [sflag:s10] =	dma.local @!p0 [spmem:s15], $0x100  }
0xb6: {  	s10 =	simm.s32 @!p0 $0xE  }
0xb7: {  	_ =	swait.ge @!p0 [sflag:s10], $0x100  }
0xb8: {  	s20 =	sadd.s32 $0x1, s20;
	s28 =	rddreg [dreg:$0xc]  }
0xb9: {  	p1 =	sne.s32 s20, s28  }
.Ltmp2:
0xba: {  	_ = 	snop;
	(pc) =	sbr.rel @p1 .LBB2_1-.Ltmp2, $3  }
0xbb: {  	_ =	sdelay $0x1  }
0xbc: {  	[sflag:s10] =	ssyncset.done @!p0 $0x0  }
0xbd: {  	[sflag:s10] =	ssyncadd.s32 @!p0 $0xFFFFFF00  }
0xbe: {  	_ =	sfence.sel $0x180000  }
0xbf: {  	[bflag:$0x0] =	sbarrier.arrive $0xFFFF  }
0xc0: {  	_ =	strace $0x90000047  }
0xc1: {  	s0 =	stileid.u32;
	[bflag:$0x2] =	sbarrier.arrive $0xFFFF  }
0xc2: {  	p0 =	sne.s32 s0, $0x0;
	s0 =	rddreg [dreg:$0x4]  }
0xc3: {  	s0 =	sadd.s32 @!p0 $0x100000, s0  }
0xc4: {  	[sflag:s0] =	ssyncadd.tile.s32 @!p0 $0x1;
	_ =	shalt  }
.Lfunc_end2:
_tile_overlayer_lowered:
.L_overlay_start_2:
0xc5: {  	(tag) =	ssettag $0x2  }
0xc6: {  	s0 =	rddreg [dreg:$0x0];
	s2 =	stileid.u32  }
0xc7: {  	s1 =	rddreg [dreg:$0x1];
	p0 =	sne.s32 s2, $0x0  }
0xc8: {  	s3 =	rddreg [dreg:$0x2];
	[bflag:$0x3] =	sbarrier.arrive $0xFFFF;
	s2 =	simm.s32 @!p0 $0x1C0E  }
0xc9: {  	[timem:s3], [sflag:s2] =	dma.local @!p0 [hbm:s0], s1  }
0xca: {  	s0 =	simm.s32 @!p0 $0xE  }
0xcb: {  	_ =	swait.ge @!p0 [sflag:s0], s1  }
0xcc: {  	s1 =	ssub.s32 @!p0 $0x0, s1;
	[sflag:s0] =	ssyncset.done @!p0 $0x0  }
0xcd: {  	[sflag:s0] =	ssyncadd.s32 @!p0 s1  }
0xce: {  	[bflag:$0x3] =	sbarrier.arrive $0xFFFF  }
0xcf: {  	_ =	shalt  }

</sc_bundles>
